<compile_context>
chip_gen: v7x
topology: tpu7x:2x2x1
jax: 0.10.2.dev20260603
libtpu: 0.0.44.dev20260713+nightly
codegen_flags: <defaults>
</compile_context>

<pallas_src>
import functools

import jax
import jax.numpy as jnp
from jax import lax
from jax.experimental import pallas as pl
from jax.experimental.pallas import tpu as pltpu
from jax.experimental.pallas import tpu_sc as plsc

_N = 100000
_M = 100000
_AR = 4
_F = 128
_ALPHA = 0.2

_NC = 2
_NS = 16
_NW = _NC * _NS
_CHUNK = 128
_NCH = 25
_EPW = _NCH * _CHUNK
_MPAD = _NW * _EPW
_CSLICE = _AR * _N // _NS
_BUF = _AR * _EPW

_HI = lax.Precision.HIGHEST
_HP = lax.Precision.HIGH
_UB = 2048
_UG = (_N + _UB - 1) // _UB
_NP = _UG * _UB


def _split(x):
    hi = x.astype(jnp.bfloat16)
    lo = (x - hi.astype(jnp.float32)).astype(jnp.bfloat16)
    return hi, lo


def _u_body(x_ref, w1_ref, a1r_ref, u_ref):
    xh, xl = _split(x_ref[...])
    wh_, wl_ = _split(w1_ref[...])
    d = functools.partial(jnp.dot, preferred_element_type=jnp.float32)
    wh = d(xh, wh_) + d(xh, wl_) + d(xl, wh_)
    lr = jnp.where(wh >= 0.0, wh, _ALPHA * wh)
    lh, ll = _split(lr)
    ah, al = _split(a1r_ref[...])
    dg = functools.partial(lax.dot_general,
                           dimension_numbers=(((1,), (1,)), ((), ())),
                           preferred_element_type=jnp.float32)
    u_ref[...] = dg(ah, lh) + dg(al, lh) + dg(ah, ll)


def _u_call(node_embs, W1, a1r):
    return pl.pallas_call(
        _u_body,
        grid=(_UG,),
        in_specs=[
            pl.BlockSpec((_UB, _F), lambda i: (i, 0)),
            pl.BlockSpec((_F, _F), lambda i: (0, 0)),
            pl.BlockSpec((8, _F), lambda i: (0, 0)),
        ],
        out_specs=pl.BlockSpec((8, _UB), lambda i: (i, 0)),
        out_shape=jax.ShapeDtypeStruct((_UG * 8, _UB), jnp.float32),
    )(node_embs, W1, a1r)


def _sc_body(u_hbm, el_hbm, si_hbm, zeros_hbm, c2_hbm,
             ei_v, si_v, w_v, gu_v, c_sh, u_sh, sem):
    cid = lax.axis_index("c")
    sid = lax.axis_index("s")
    wid = cid * _NS + sid

    pltpu.sync_copy(zeros_hbm, w_v)
    base_c = sid * _CSLICE
    pltpu.sync_copy(w_v, c_sh.at[pl.ds(base_c, _BUF)])
    pltpu.sync_copy(w_v.at[pl.ds(0, _CSLICE - _BUF)],
                    c_sh.at[pl.ds(base_c + _BUF, _CSLICE - _BUF)])

    upt = _NP // _NS
    pltpu.sync_copy(u_hbm.at[pl.ds(sid * upt, upt)], gu_v.at[pl.ds(0, upt)])
    pltpu.sync_copy(gu_v.at[pl.ds(0, upt)], u_sh.at[pl.ds(sid * upt, upt)])

    for k in range(_AR):
        pltpu.sync_copy(el_hbm.at[k, wid], ei_v.at[pl.ds(k * _EPW, _EPW)])
        pltpu.sync_copy(si_hbm.at[k, wid], si_v.at[pl.ds(k * _NCH, _NCH)])

    plsc.subcore_barrier()

    def g_body(r, carry):
        sl = pl.ds(r * _CHUNK, _CHUNK)
        pltpu.sync_copy(u_sh.at[ei_v.at[sl]], gu_v.at[sl])
        return carry

    lax.fori_loop(0, _AR * _NCH, g_body, 0)

    base = wid * _EPW
    iota16 = lax.iota(jnp.int32, 16)

    def chunk_body(c, carry):
        pos = c * 16 + iota16
        g = [plsc.load_gather(gu_v, [pos + k * _EPW]) for k in range(_AR)]
        mx = jnp.maximum(jnp.maximum(g[0], g[1]), jnp.maximum(g[2], g[3]))
        e = [jnp.exp(gk - mx) for gk in g]
        inv = 1.0 / (e[0] + e[1] + e[2] + e[3])
        valid = (base + c * 16 + iota16) < _M
        for k in range(_AR):
            plsc.store_scatter(w_v, [pos + k * _EPW],
                               jnp.where(valid, e[k] * inv, 0.0))
        return carry

    lax.fori_loop(0, _EPW // 16, chunk_body, 0)

    def scat_body(r, carry):
        pltpu.sync_copy(w_v.at[pl.ds(r * _CHUNK, _CHUNK)],
                        c_sh.at[si_v.at[r]], add=True)
        return carry

    lax.fori_loop(0, _AR * _NCH, scat_body, 0)

    plsc.subcore_barrier()

    hbase = cid * _AR * _N + sid * _CSLICE
    pltpu.sync_copy(c_sh.at[pl.ds(base_c, _BUF)], w_v)
    pltpu.sync_copy(w_v, c2_hbm.at[pl.ds(hbase, _BUF)])
    rem = _CSLICE - _BUF
    pltpu.sync_copy(c_sh.at[pl.ds(base_c + _BUF, rem)], w_v.at[pl.ds(0, rem)])
    pltpu.sync_copy(w_v.at[pl.ds(0, rem)], c2_hbm.at[pl.ds(hbase + _BUF, rem)])


def _sc_call(u_flat, el3, si4, zeros_c):
    mesh = plsc.VectorSubcoreMesh(core_axis_name="c", subcore_axis_name="s",
                                  num_cores=_NC, num_subcores=_NS)
    f = functools.partial(
        pl.kernel,
        out_type=jax.ShapeDtypeStruct((_NC * _AR * _N,), jnp.float32),
        mesh=mesh,
        compiler_params=pltpu.CompilerParams(needs_layout_passes=False),
        scratch_types=[
            pltpu.VMEM((_AR * _EPW,), jnp.int32),
            pltpu.VMEM((_AR * _NCH, _CHUNK), jnp.int32),
            pltpu.VMEM((_AR * _EPW,), jnp.float32),
            pltpu.VMEM((_AR * _EPW,), jnp.float32),
            pltpu.VMEM_SHARED((_AR * _N,), jnp.float32),
            pltpu.VMEM_SHARED((_NP,), jnp.float32),
            pltpu.SemaphoreType.DMA,
        ],
    )(_sc_body)
    return f(u_flat, el3, si4, zeros_c)


def _out_body(c_ref, x_ref, w1_ref, o_ref, acc_ref):
    i = pl.program_id(0)

    @pl.when(i == 0)
    def _():
        acc_ref[...] = jnp.zeros_like(acc_ref)

    valid = _N - i * _UB
    c = c_ref[...]
    x = x_ref[...]
    lane = lax.broadcasted_iota(jnp.int32, (1, _UB), 1)
    c = jnp.where(lane < valid, c, 0.0)
    x = jnp.where(lane.reshape(_UB, 1) < valid, x, 0.0)
    ch, cl = _split(c)
    xh, xl = _split(x)
    dg = functools.partial(lax.dot_general,
                           dimension_numbers=(((1,), (0,)), ((), ())),
                           preferred_element_type=jnp.float32)
    acc_ref[...] += dg(ch, xh) + dg(ch, xl) + dg(cl, xh)

    @pl.when(i == pl.num_programs(0) - 1)
    def _():
        c8 = acc_ref[...]
        cs = c8[:_AR] + c8[_AR:]
        o_ref[...] = jnp.dot(cs, w1_ref[...], preferred_element_type=jnp.float32,
                             precision=_HI)


def _out_call(c2, node_embs, W1):
    return pl.pallas_call(
        _out_body,
        grid=(_UG,),
        in_specs=[
            pl.BlockSpec((_NC * _AR, _UB), lambda i: (0, i)),
            pl.BlockSpec((_UB, _F), lambda i: (i, 0)),
            pl.BlockSpec((_F, _F), lambda i: (0, 0)),
        ],
        out_specs=pl.BlockSpec((_AR, _F), lambda i: (0, 0)),
        out_shape=jax.ShapeDtypeStruct((_AR, _F), jnp.float32),
        scratch_shapes=[pltpu.VMEM((_NC * _AR, _F), jnp.float32)],
    )(c2, node_embs, W1)


def kernel(node_embs, edge_embs, edge_list, W1, W2, a1, a2):
    del edge_embs, W2, a2
    a1r = jnp.broadcast_to(a1.reshape(1, _F), (8, _F))
    u8 = _u_call(node_embs, W1, a1r)
    u = u8.reshape(_UG, 8, _UB)[:, 0, :].reshape(_NP)
    el = edge_list.astype(jnp.int32).T
    el = jnp.pad(el, ((0, 0), (0, _MPAD - _M)))
    el3 = el.reshape(_AR, _NW, _EPW)
    si = el + (jnp.arange(_AR, dtype=jnp.int32) * _N)[:, None]
    si4 = si.reshape(_AR, _NW, _NCH, _CHUNK)
    zeros_c = jnp.zeros((_BUF,), jnp.float32)
    c2 = _sc_call(u, el3, si4, zeros_c)
    return _out_call(c2.reshape(_NC * _AR, _N), node_embs, W1)

# --- scband reference (transcript-rebuilt; emitter-appended) ---
"""Pipeline reference for scband-sparse-hyper-graph-attention-layer-84542136254541 (READ-ONLY COPY).

The authoritative reference and input builder live on the scoring server;
editing this copy changes nothing except your own understanding.
"""

import jax, jax.numpy as jnp
import numpy as np

N = 100000
M = 100000
MAX_ARITY = 4
IN_F = 128
OUT_F = 128
ALPHA = 0.2


def _xavier(key, shape):
    fan_in, fan_out = shape[0], shape[1]
    limit = 1.414 * np.sqrt(6.0 / (fan_in + fan_out))
    return jax.random.uniform(key, shape, jnp.float32, -limit, limit)


def setup_inputs(seed: int = 0) -> dict:
    key = jax.random.key(seed)
    k1, k2, k3, k4, k5, k6, k7 = jax.random.split(key, 7)
    node_embs = jax.random.normal(k1, (N, IN_F), dtype=jnp.float32)
    edge_embs = jax.random.normal(k2, (M, IN_F), dtype=jnp.float32)
    edge_list = jax.random.randint(k3, (M, MAX_ARITY), 0, N, dtype=jnp.int64 if jax.config.jax_enable_x64 else jnp.int32)
    W1 = _xavier(k4, (IN_F, OUT_F))
    W2 = _xavier(k5, (IN_F, OUT_F))
    a1 = _xavier(k6, (OUT_F, 1))
    a2 = _xavier(k7, (2 * OUT_F, 1))
    return {"node_embs": node_embs, "edge_embs": edge_embs, "edge_list": edge_list,
            "W1": W1, "W2": W2, "a1": a1, "a2": a2}


def reference(node_embs, edge_embs, edge_list, W1, W2, a1, a2):
    # Wh = node_embs @ W1  -> [N, out]
    Wh = node_embs @ W1
    # every hyperedge has full arity (MAX_ARITY), so the padding branch never fires;
    # the per-edge python loop + stack becomes a single batched gather
    gathered = jnp.take(Wh, edge_list, axis=0)            # [M, max_arity, out]
    a1u = jax.nn.leaky_relu(gathered, negative_slope=ALPHA) @ a1  # [M, max_arity, 1]
    attention = jax.nn.softmax(a1u, axis=1)               # softmax over arity dim
    # NOTE: original code sums over dim=0 (the M dimension), yielding [max_arity, out]
    new_edge_embs = jnp.sum(attention * gathered, axis=0)  # [max_arity, out]
    return new_edge_embs

if __name__ == "__main__":
    import jax
    _d = setup_inputs()
    print(jax.jit(kernel)(*tuple(_d.values())))

</pallas_src>

<mosaic_0001>
#map = affine_map<(d0, d1) -> (0)>
#map1 = affine_map<(d0, d1) -> (0, 0, 0)>
#map2 = affine_map<(d0, d1) -> (0, 0, 0, 0)>
module attributes {stable_mosaic.version = 14 : i64} {
  func.func @_sc_body(%arg0: i32, %arg1: i32, %arg2: memref<100352xf32, #tpu.memory_space<hbm>>, %arg3: memref<4x32x3200xi32, #tpu.memory_space<hbm>>, %arg4: memref<4x32x25x128xi32, #tpu.memory_space<hbm>>, %arg5: memref<12800xf32, #tpu.memory_space<hbm>>, %arg6: memref<800000xf32, #tpu.memory_space<hbm>>, %arg7: memref<12800xi32, #tpu.memory_space<vmem>>, %arg8: memref<100x128xi32, #tpu.memory_space<vmem>>, %arg9: memref<12800xf32, #tpu.memory_space<vmem>>, %arg10: memref<12800xf32, #tpu.memory_space<vmem>>, %arg11: memref<400000xf32, #tpu.memory_space<vmem_shared>>, %arg12: memref<100352xf32, #tpu.memory_space<vmem_shared>>, %arg13: memref<!tpu.dma_semaphore, #tpu.memory_space<semaphore_mem>>) attributes {dimension_semantics = [#tpu.dimension_semantics<core_parallel>, #tpu.dimension_semantics<subcore_parallel>], iteration_bounds = array<i64: 2, 16>, scalar_prefetch = 0 : i64, scratch_operands = 7 : i64, tpu.core_type = #tpu.core_type<sc_vector_subcore>, window_params = [{transform_indices = #map}, {transform_indices = #map1}, {transform_indices = #map2}, {transform_indices = #map}, {transform_indices = #map}]} {
    %mul3A = arith.constant 16 : i32
    %mul3A_0 = arith.muli %arg0, %mul3A : i32
    %add3A = arith.addi %mul3A_0, %arg1 : i32
    "tpu.region"() ({
      %run_scoped3A_47 = tpu.sem_alloc : memref<!tpu.dma_semaphore, #tpu.memory_space<semaphore_mem>>
      tpu.enqueue_dma source(%arg5 : memref<12800xf32, #tpu.memory_space<hbm>>) target(%arg9 : memref<12800xf32, #tpu.memory_space<vmem>>) target_semaphore(%run_scoped3A_47 : memref<!tpu.dma_semaphore, #tpu.memory_space<semaphore_mem>>)
      tpu.wait_dma2 semaphore(%run_scoped3A_47 : memref<!tpu.dma_semaphore, #tpu.memory_space<semaphore_mem>>) src(%arg5 : memref<12800xf32, #tpu.memory_space<hbm>>) dst(%arg9 : memref<12800xf32, #tpu.memory_space<vmem>>)
      tpu.yield
    }) : () -> ()
    %mul3A_1 = arith.constant 25000 : i32
    %mul3A_2 = arith.muli %arg1, %mul3A_1 : i32
    "tpu.region"() ({
      %run_scoped3A_47 = tpu.sem_alloc : memref<!tpu.dma_semaphore, #tpu.memory_space<semaphore_mem>>
      %dma_start3A = tpu.memref_slice %arg11[%mul3A_2] : memref<400000xf32, #tpu.memory_space<vmem_shared>> -> memref<12800xf32, #tpu.memory_space<vmem_shared>>
      %dma_start3A_48 = tpu.memref_slice %arg11[%mul3A_2] : memref<400000xf32, #tpu.memory_space<vmem_shared>> -> memref<12800xf32, #tpu.memory_space<vmem_shared>>
      tpu.enqueue_dma source(%arg9 : memref<12800xf32, #tpu.memory_space<vmem>>) target(%dma_start3A_48 : memref<12800xf32, #tpu.memory_space<vmem_shared>>) target_semaphore(%run_scoped3A_47 : memref<!tpu.dma_semaphore, #tpu.memory_space<semaphore_mem>>)
      %dma_wait3A = tpu.memref_slice %arg11[%mul3A_2] : memref<400000xf32, #tpu.memory_space<vmem_shared>> -> memref<12800xf32, #tpu.memory_space<vmem_shared>>
      %dma_wait3A_49 = tpu.memref_slice %arg11[%mul3A_2] : memref<400000xf32, #tpu.memory_space<vmem_shared>> -> memref<12800xf32, #tpu.memory_space<vmem_shared>>
      tpu.wait_dma2 semaphore(%run_scoped3A_47 : memref<!tpu.dma_semaphore, #tpu.memory_space<semaphore_mem>>) src(%arg9 : memref<12800xf32, #tpu.memory_space<vmem>>) dst(%dma_wait3A_49 : memref<12800xf32, #tpu.memory_space<vmem_shared>>)
      tpu.yield
    }) : () -> ()
    %add3A_3 = arith.constant 12800 : i32
    %add3A_4 = arith.addi %mul3A_2, %add3A_3 : i32
    "tpu.region"() ({
      %run_scoped3A_47 = tpu.sem_alloc : memref<!tpu.dma_semaphore, #tpu.memory_space<semaphore_mem>>
      %dma_start3A = arith.constant 0 : i32
      %dma_start3A_48 = tpu.memref_slice %arg9[%dma_start3A] : memref<12800xf32, #tpu.memory_space<vmem>> -> memref<12200xf32, #tpu.memory_space<vmem>>
      %dma_start3A_49 = tpu.memref_slice %arg11[%add3A_4] : memref<400000xf32, #tpu.memory_space<vmem_shared>> -> memref<12200xf32, #tpu.memory_space<vmem_shared>>
      %dma_start3A_50 = tpu.memref_slice %arg11[%add3A_4] : memref<400000xf32, #tpu.memory_space<vmem_shared>> -> memref<12200xf32, #tpu.memory_space<vmem_shared>>
      %dma_start3A_51 = arith.constant 0 : i32
      %dma_start3A_52 = tpu.memref_slice %arg9[%dma_start3A_51] : memref<12800xf32, #tpu.memory_space<vmem>> -> memref<12200xf32, #tpu.memory_space<vmem>>
      tpu.enqueue_dma source(%dma_start3A_52 : memref<12200xf32, #tpu.memory_space<vmem>>) target(%dma_start3A_50 : memref<12200xf32, #tpu.memory_space<vmem_shared>>) target_semaphore(%run_scoped3A_47 : memref<!tpu.dma_semaphore, #tpu.memory_space<semaphore_mem>>)
      %dma_wait3A = arith.constant 0 : i32
      %dma_wait3A_53 = tpu.memref_slice %arg9[%dma_wait3A] : memref<12800xf32, #tpu.memory_space<vmem>> -> memref<12200xf32, #tpu.memory_space<vmem>>
      %dma_wait3A_54 = tpu.memref_slice %arg11[%add3A_4] : memref<400000xf32, #tpu.memory_space<vmem_shared>> -> memref<12200xf32, #tpu.memory_space<vmem_shared>>
      %dma_wait3A_55 = tpu.memref_slice %arg11[%add3A_4] : memref<400000xf32, #tpu.memory_space<vmem_shared>> -> memref<12200xf32, #tpu.memory_space<vmem_shared>>
      %dma_wait3A_56 = arith.constant 0 : i32
      %dma_wait3A_57 = tpu.memref_slice %arg9[%dma_wait3A_56] : memref<12800xf32, #tpu.memory_space<vmem>> -> memref<12200xf32, #tpu.memory_space<vmem>>
      tpu.wait_dma2 semaphore(%run_scoped3A_47 : memref<!tpu.dma_semaphore, #tpu.memory_space<semaphore_mem>>) src(%dma_wait3A_57 : memref<12200xf32, #tpu.memory_space<vmem>>) dst(%dma_wait3A_55 : memref<12200xf32, #tpu.memory_space<vmem_shared>>)
      tpu.yield
    }) : () -> ()
    %mul3A_5 = arith.constant 6272 : i32
    %mul3A_6 = arith.muli %arg1, %mul3A_5 : i32
    "tpu.region"() ({
      %run_scoped3A_47 = tpu.sem_alloc : memref<!tpu.dma_semaphore, #tpu.memory_space<semaphore_mem>>
      %dma_start3A = arith.constant 0 : i32
      %dma_start3A_48 = tpu.memref_slice %arg10[%dma_start3A] : memref<12800xf32, #tpu.memory_space<vmem>> -> memref<6272xf32, #tpu.memory_space<vmem>>
      %dma_start3A_49 = tpu.memref_slice %arg2[%mul3A_6] : memref<100352xf32, #tpu.memory_space<hbm>> -> memref<6272xf32, #tpu.memory_space<hbm>>
      %dma_start3A_50 = arith.constant 0 : i32
      %dma_start3A_51 = tpu.memref_slice %arg10[%dma_start3A_50] : memref<12800xf32, #tpu.memory_space<vmem>> -> memref<6272xf32, #tpu.memory_space<vmem>>
      %dma_start3A_52 = tpu.memref_slice %arg2[%mul3A_6] : memref<100352xf32, #tpu.memory_space<hbm>> -> memref<6272xf32, #tpu.memory_space<hbm>>
      tpu.enqueue_dma source(%dma_start3A_52 : memref<6272xf32, #tpu.memory_space<hbm>>) target(%dma_start3A_51 : memref<6272xf32, #tpu.memory_space<vmem>>) target_semaphore(%run_scoped3A_47 : memref<!tpu.dma_semaphore, #tpu.memory_space<semaphore_mem>>)
      %dma_wait3A = arith.constant 0 : i32
      %dma_wait3A_53 = tpu.memref_slice %arg10[%dma_wait3A] : memref<12800xf32, #tpu.memory_space<vmem>> -> memref<6272xf32, #tpu.memory_space<vmem>>
      %dma_wait3A_54 = tpu.memref_slice %arg2[%mul3A_6] : memref<100352xf32, #tpu.memory_space<hbm>> -> memref<6272xf32, #tpu.memory_space<hbm>>
      %dma_wait3A_55 = arith.constant 0 : i32
      %dma_wait3A_56 = tpu.memref_slice %arg10[%dma_wait3A_55] : memref<12800xf32, #tpu.memory_space<vmem>> -> memref<6272xf32, #tpu.memory_space<vmem>>
      %dma_wait3A_57 = tpu.memref_slice %arg2[%mul3A_6] : memref<100352xf32, #tpu.memory_space<hbm>> -> memref<6272xf32, #tpu.memory_space<hbm>>
      tpu.wait_dma2 semaphore(%run_scoped3A_47 : memref<!tpu.dma_semaphore, #tpu.memory_space<semaphore_mem>>) src(%dma_wait3A_57 : memref<6272xf32, #tpu.memory_space<hbm>>) dst(%dma_wait3A_56 : memref<6272xf32, #tpu.memory_space<vmem>>)
      tpu.yield
    }) : () -> ()
    %mul3A_7 = arith.constant 6272 : i32
    %mul3A_8 = arith.muli %arg1, %mul3A_7 : i32
    "tpu.region"() ({
      %run_scoped3A_47 = tpu.sem_alloc : memref<!tpu.dma_semaphore, #tpu.memory_space<semaphore_mem>>
      %dma_start3A = arith.constant 0 : i32
      %dma_start3A_48 = tpu.memref_slice %arg10[%dma_start3A] : memref<12800xf32, #tpu.memory_space<vmem>> -> memref<6272xf32, #tpu.memory_space<vmem>>
      %dma_start3A_49 = tpu.memref_slice %arg12[%mul3A_8] : memref<100352xf32, #tpu.memory_space<vmem_shared>> -> memref<6272xf32, #tpu.memory_space<vmem_shared>>
      %dma_start3A_50 = tpu.memref_slice %arg12[%mul3A_8] : memref<100352xf32, #tpu.memory_space<vmem_shared>> -> memref<6272xf32, #tpu.memory_space<vmem_shared>>
      %dma_start3A_51 = arith.constant 0 : i32
      %dma_start3A_52 = tpu.memref_slice %arg10[%dma_start3A_51] : memref<12800xf32, #tpu.memory_space<vmem>> -> memref<6272xf32, #tpu.memory_space<vmem>>
      tpu.enqueue_dma source(%dma_start3A_52 : memref<6272xf32, #tpu.memory_space<vmem>>) target(%dma_start3A_50 : memref<6272xf32, #tpu.memory_space<vmem_shared>>) target_semaphore(%run_scoped3A_47 : memref<!tpu.dma_semaphore, #tpu.memory_space<semaphore_mem>>)
      %dma_wait3A = arith.constant 0 : i32
      %dma_wait3A_53 = tpu.memref_slice %arg10[%dma_wait3A] : memref<12800xf32, #tpu.memory_space<vmem>> -> memref<6272xf32, #tpu.memory_space<vmem>>
      %dma_wait3A_54 = tpu.memref_slice %arg12[%mul3A_8] : memref<100352xf32, #tpu.memory_space<vmem_shared>> -> memref<6272xf32, #tpu.memory_space<vmem_shared>>
      %dma_wait3A_55 = tpu.memref_slice %arg12[%mul3A_8] : memref<100352xf32, #tpu.memory_space<vmem_shared>> -> memref<6272xf32, #tpu.memory_space<vmem_shared>>
      %dma_wait3A_56 = arith.constant 0 : i32
      %dma_wait3A_57 = tpu.memref_slice %arg10[%dma_wait3A_56] : memref<12800xf32, #tpu.memory_space<vmem>> -> memref<6272xf32, #tpu.memory_space<vmem>>
      tpu.wait_dma2 semaphore(%run_scoped3A_47 : memref<!tpu.dma_semaphore, #tpu.memory_space<semaphore_mem>>) src(%dma_wait3A_57 : memref<6272xf32, #tpu.memory_space<vmem>>) dst(%dma_wait3A_55 : memref<6272xf32, #tpu.memory_space<vmem_shared>>)
      tpu.yield
    }) : () -> ()
    %run_scoped3A = arith.constant 0 : i32
    "tpu.region"() ({
      %run_scoped3A_47 = tpu.sem_alloc : memref<!tpu.dma_semaphore, #tpu.memory_space<semaphore_mem>>
      %dma_start3A = arith.constant 0 : i32
      %dma_start3A_48 = tpu.memref_slice %arg7[%dma_start3A] : memref<12800xi32, #tpu.memory_space<vmem>> -> memref<3200xi32, #tpu.memory_space<vmem>>
      %dma_start3A_49 = arith.constant 0 : i32
      %dma_start3A_50 = tpu.memref_slice %arg3[%run_scoped3A, %add3A, %dma_start3A_49] : memref<4x32x3200xi32, #tpu.memory_space<hbm>> -> memref<1x1x3200xi32, #tpu.memory_space<hbm>>
      %dma_start3A_51 = tpu.memref_squeeze %dma_start3A_50 : memref<1x1x3200xi32, #tpu.memory_space<hbm>> -> memref<3200xi32, #tpu.memory_space<hbm>>
      %dma_start3A_52 = arith.constant 0 : i32
      %dma_start3A_53 = tpu.memref_slice %arg7[%dma_start3A_52] : memref<12800xi32, #tpu.memory_space<vmem>> -> memref<3200xi32, #tpu.memory_space<vmem>>
      %dma_start3A_54 = arith.constant 0 : i32
      %dma_start3A_55 = tpu.memref_slice %arg3[%run_scoped3A, %add3A, %dma_start3A_54] : memref<4x32x3200xi32, #tpu.memory_space<hbm>> -> memref<1x1x3200xi32, #tpu.memory_space<hbm>>
      %dma_start3A_56 = tpu.memref_squeeze %dma_start3A_55 : memref<1x1x3200xi32, #tpu.memory_space<hbm>> -> memref<3200xi32, #tpu.memory_space<hbm>>
      tpu.enqueue_dma source(%dma_start3A_56 : memref<3200xi32, #tpu.memory_space<hbm>>) target(%dma_start3A_53 : memref<3200xi32, #tpu.memory_space<vmem>>) target_semaphore(%run_scoped3A_47 : memref<!tpu.dma_semaphore, #tpu.memory_space<semaphore_mem>>)
      %dma_wait3A = arith.constant 0 : i32
      %dma_wait3A_57 = tpu.memref_slice %arg7[%dma_wait3A] : memref<12800xi32, #tpu.memory_space<vmem>> -> memref<3200xi32, #tpu.memory_space<vmem>>
      %dma_wait3A_58 = arith.constant 0 : i32
      %dma_wait3A_59 = tpu.memref_slice %arg3[%run_scoped3A, %add3A, %dma_wait3A_58] : memref<4x32x3200xi32, #tpu.memory_space<hbm>> -> memref<1x1x3200xi32, #tpu.memory_space<hbm>>
      %dma_wait3A_60 = tpu.memref_squeeze %dma_wait3A_59 : memref<1x1x3200xi32, #tpu.memory_space<hbm>> -> memref<3200xi32, #tpu.memory_space<hbm>>
      %dma_wait3A_61 = arith.constant 0 : i32
      %dma_wait3A_62 = tpu.memref_slice %arg7[%dma_wait3A_61] : memref<12800xi32, #tpu.memory_space<vmem>> -> memref<3200xi32, #tpu.memory_space<vmem>>
      %dma_wait3A_63 = arith.constant 0 : i32
      %dma_wait3A_64 = tpu.memref_slice %arg3[%run_scoped3A, %add3A, %dma_wait3A_63] : memref<4x32x3200xi32, #tpu.memory_space<hbm>> -> memref<1x1x3200xi32, #tpu.memory_space<hbm>>
      %dma_wait3A_65 = tpu.memref_squeeze %dma_wait3A_64 : memref<1x1x3200xi32, #tpu.memory_space<hbm>> -> memref<3200xi32, #tpu.memory_space<hbm>>
      tpu.wait_dma2 semaphore(%run_scoped3A_47 : memref<!tpu.dma_semaphore, #tpu.memory_space<semaphore_mem>>) src(%dma_wait3A_65 : memref<3200xi32, #tpu.memory_space<hbm>>) dst(%dma_wait3A_62 : memref<3200xi32, #tpu.memory_space<vmem>>)
      tpu.yield
    }) : () -> ()
    %run_scoped3A_9 = arith.constant 0 : i32
    "tpu.region"() ({
      %run_scoped3A_47 = tpu.sem_alloc : memref<!tpu.dma_semaphore, #tpu.memory_space<semaphore_mem>>
      %dma_start3A = arith.constant 0 : i32
      %dma_start3A_48 = arith.constant 0 : i32
      %dma_start3A_49 = tpu.memref_slice %arg8[%dma_start3A, %dma_start3A_48] : memref<100x128xi32, #tpu.memory_space<vmem>> -> memref<25x128xi32, #tpu.memory_space<vmem>>
      %dma_start3A_50 = arith.constant 0 : i32
      %dma_start3A_51 = arith.constant 0 : i32
      %dma_start3A_52 = tpu.memref_slice %arg4[%run_scoped3A_9, %add3A, %dma_start3A_50, %dma_start3A_51] : memref<4x32x25x128xi32, #tpu.memory_space<hbm>> -> memref<1x1x25x128xi32, #tpu.memory_space<hbm>>
      %dma_start3A_53 = tpu.memref_squeeze %dma_start3A_52 : memref<1x1x25x128xi32, #tpu.memory_space<hbm>> -> memref<25x128xi32, #tpu.memory_space<hbm>>
      %dma_start3A_54 = arith.constant 0 : i32
      %dma_start3A_55 = arith.constant 0 : i32
      %dma_start3A_56 = tpu.memref_slice %arg8[%dma_start3A_54, %dma_start3A_55] : memref<100x128xi32, #tpu.memory_space<vmem>> -> memref<25x128xi32, #tpu.memory_space<vmem>>
      %dma_start3A_57 = arith.constant 0 : i32
      %dma_start3A_58 = arith.constant 0 : i32
      %dma_start3A_59 = tpu.memref_slice %arg4[%run_scoped3A_9, %add3A, %dma_start3A_57, %dma_start3A_58] : memref<4x32x25x128xi32, #tpu.memory_space<hbm>> -> memref<1x1x25x128xi32, #tpu.memory_space<hbm>>
      %dma_start3A_60 = tpu.memref_squeeze %dma_start3A_59 : memref<1x1x25x128xi32, #tpu.memory_space<hbm>> -> memref<25x128xi32, #tpu.memory_space<hbm>>
      tpu.enqueue_dma source(%dma_start3A_60 : memref<25x128xi32, #tpu.memory_space<hbm>>) target(%dma_start3A_56 : memref<25x128xi32, #tpu.memory_space<vmem>>) target_semaphore(%run_scoped3A_47 : memref<!tpu.dma_semaphore, #tpu.memory_space<semaphore_mem>>)
      %dma_wait3A = arith.constant 0 : i32
      %dma_wait3A_61 = arith.constant 0 : i32
      %dma_wait3A_62 = tpu.memref_slice %arg8[%dma_wait3A, %dma_wait3A_61] : memref<100x128xi32, #tpu.memory_space<vmem>> -> memref<25x128xi32, #tpu.memory_space<vmem>>
      %dma_wait3A_63 = arith.constant 0 : i32
      %dma_wait3A_64 = arith.constant 0 : i32
      %dma_wait3A_65 = tpu.memref_slice %arg4[%run_scoped3A_9, %add3A, %dma_wait3A_63, %dma_wait3A_64] : memref<4x32x25x128xi32, #tpu.memory_space<hbm>> -> memref<1x1x25x128xi32, #tpu.memory_space<hbm>>
      %dma_wait3A_66 = tpu.memref_squeeze %dma_wait3A_65 : memref<1x1x25x128xi32, #tpu.memory_space<hbm>> -> memref<25x128xi32, #tpu.memory_space<hbm>>
      %dma_wait3A_67 = arith.constant 0 : i32
      %dma_wait3A_68 = arith.constant 0 : i32
      %dma_wait3A_69 = tpu.memref_slice %arg8[%dma_wait3A_67, %dma_wait3A_68] : memref<100x128xi32, #tpu.memory_space<vmem>> -> memref<25x128xi32, #tpu.memory_space<vmem>>
      %dma_wait3A_70 = arith.constant 0 : i32
      %dma_wait3A_71 = arith.constant 0 : i32
      %dma_wait3A_72 = tpu.memref_slice %arg4[%run_scoped3A_9, %add3A, %dma_wait3A_70, %dma_wait3A_71] : memref<4x32x25x128xi32, #tpu.memory_space<hbm>> -> memref<1x1x25x128xi32, #tpu.memory_space<hbm>>
      %dma_wait3A_73 = tpu.memref_squeeze %dma_wait3A_72 : memref<1x1x25x128xi32, #tpu.memory_space<hbm>> -> memref<25x128xi32, #tpu.memory_space<hbm>>
      tpu.wait_dma2 semaphore(%run_scoped3A_47 : memref<!tpu.dma_semaphore, #tpu.memory_space<semaphore_mem>>) src(%dma_wait3A_73 : memref<25x128xi32, #tpu.memory_space<hbm>>) dst(%dma_wait3A_69 : memref<25x128xi32, #tpu.memory_space<vmem>>)
      tpu.yield
    }) : () -> ()
    %run_scoped3A_10 = arith.constant 1 : i32
    "tpu.region"() ({
      %run_scoped3A_47 = tpu.sem_alloc : memref<!tpu.dma_semaphore, #tpu.memory_space<semaphore_mem>>
      %dma_start3A = arith.constant 3200 : i32
      %dma_start3A_48 = tpu.memref_slice %arg7[%dma_start3A] : memref<12800xi32, #tpu.memory_space<vmem>> -> memref<3200xi32, #tpu.memory_space<vmem>>
      %dma_start3A_49 = arith.constant 0 : i32
      %dma_start3A_50 = tpu.memref_slice %arg3[%run_scoped3A_10, %add3A, %dma_start3A_49] : memref<4x32x3200xi32, #tpu.memory_space<hbm>> -> memref<1x1x3200xi32, #tpu.memory_space<hbm>>
      %dma_start3A_51 = tpu.memref_squeeze %dma_start3A_50 : memref<1x1x3200xi32, #tpu.memory_space<hbm>> -> memref<3200xi32, #tpu.memory_space<hbm>>
      %dma_start3A_52 = arith.constant 3200 : i32
      %dma_start3A_53 = tpu.memref_slice %arg7[%dma_start3A_52] : memref<12800xi32, #tpu.memory_space<vmem>> -> memref<3200xi32, #tpu.memory_space<vmem>>
      %dma_start3A_54 = arith.constant 0 : i32
      %dma_start3A_55 = tpu.memref_slice %arg3[%run_scoped3A_10, %add3A, %dma_start3A_54] : memref<4x32x3200xi32, #tpu.memory_space<hbm>> -> memref<1x1x3200xi32, #tpu.memory_space<hbm>>
      %dma_start3A_56 = tpu.memref_squeeze %dma_start3A_55 : memref<1x1x3200xi32, #tpu.memory_space<hbm>> -> memref<3200xi32, #tpu.memory_space<hbm>>
      tpu.enqueue_dma source(%dma_start3A_56 : memref<3200xi32, #tpu.memory_space<hbm>>) target(%dma_start3A_53 : memref<3200xi32, #tpu.memory_space<vmem>>) target_semaphore(%run_scoped3A_47 : memref<!tpu.dma_semaphore, #tpu.memory_space<semaphore_mem>>)
      %dma_wait3A = arith.constant 3200 : i32
      %dma_wait3A_57 = tpu.memref_slice %arg7[%dma_wait3A] : memref<12800xi32, #tpu.memory_space<vmem>> -> memref<3200xi32, #tpu.memory_space<vmem>>
      %dma_wait3A_58 = arith.constant 0 : i32
      %dma_wait3A_59 = tpu.memref_slice %arg3[%run_scoped3A_10, %add3A, %dma_wait3A_58] : memref<4x32x3200xi32, #tpu.memory_space<hbm>> -> memref<1x1x3200xi32, #tpu.memory_space<hbm>>
      %dma_wait3A_60 = tpu.memref_squeeze %dma_wait3A_59 : memref<1x1x3200xi32, #tpu.memory_space<hbm>> -> memref<3200xi32, #tpu.memory_space<hbm>>
      %dma_wait3A_61 = arith.constant 3200 : i32
      %dma_wait3A_62 = tpu.memref_slice %arg7[%dma_wait3A_61] : memref<12800xi32, #tpu.memory_space<vmem>> -> memref<3200xi32, #tpu.memory_space<vmem>>
      %dma_wait3A_63 = arith.constant 0 : i32
      %dma_wait3A_64 = tpu.memref_slice %arg3[%run_scoped3A_10, %add3A, %dma_wait3A_63] : memref<4x32x3200xi32, #tpu.memory_space<hbm>> -> memref<1x1x3200xi32, #tpu.memory_space<hbm>>
      %dma_wait3A_65 = tpu.memref_squeeze %dma_wait3A_64 : memref<1x1x3200xi32, #tpu.memory_space<hbm>> -> memref<3200xi32, #tpu.memory_space<hbm>>
      tpu.wait_dma2 semaphore(%run_scoped3A_47 : memref<!tpu.dma_semaphore, #tpu.memory_space<semaphore_mem>>) src(%dma_wait3A_65 : memref<3200xi32, #tpu.memory_space<hbm>>) dst(%dma_wait3A_62 : memref<3200xi32, #tpu.memory_space<vmem>>)
      tpu.yield
    }) : () -> ()
    %run_scoped3A_11 = arith.constant 1 : i32
    "tpu.region"() ({
      %run_scoped3A_47 = tpu.sem_alloc : memref<!tpu.dma_semaphore, #tpu.memory_space<semaphore_mem>>
      %dma_start3A = arith.constant 25 : i32
      %dma_start3A_48 = arith.constant 0 : i32
      %dma_start3A_49 = tpu.memref_slice %arg8[%dma_start3A, %dma_start3A_48] : memref<100x128xi32, #tpu.memory_space<vmem>> -> memref<25x128xi32, #tpu.memory_space<vmem>>
      %dma_start3A_50 = arith.constant 0 : i32
      %dma_start3A_51 = arith.constant 0 : i32
      %dma_start3A_52 = tpu.memref_slice %arg4[%run_scoped3A_11, %add3A, %dma_start3A_50, %dma_start3A_51] : memref<4x32x25x128xi32, #tpu.memory_space<hbm>> -> memref<1x1x25x128xi32, #tpu.memory_space<hbm>>
      %dma_start3A_53 = tpu.memref_squeeze %dma_start3A_52 : memref<1x1x25x128xi32, #tpu.memory_space<hbm>> -> memref<25x128xi32, #tpu.memory_space<hbm>>
      %dma_start3A_54 = arith.constant 25 : i32
      %dma_start3A_55 = arith.constant 0 : i32
      %dma_start3A_56 = tpu.memref_slice %arg8[%dma_start3A_54, %dma_start3A_55] : memref<100x128xi32, #tpu.memory_space<vmem>> -> memref<25x128xi32, #tpu.memory_space<vmem>>
      %dma_start3A_57 = arith.constant 0 : i32
      %dma_start3A_58 = arith.constant 0 : i32
      %dma_start3A_59 = tpu.memref_slice %arg4[%run_scoped3A_11, %add3A, %dma_start3A_57, %dma_start3A_58] : memref<4x32x25x128xi32, #tpu.memory_space<hbm>> -> memref<1x1x25x128xi32, #tpu.memory_space<hbm>>
      %dma_start3A_60 = tpu.memref_squeeze %dma_start3A_59 : memref<1x1x25x128xi32, #tpu.memory_space<hbm>> -> memref<25x128xi32, #tpu.memory_space<hbm>>
      tpu.enqueue_dma source(%dma_start3A_60 : memref<25x128xi32, #tpu.memory_space<hbm>>) target(%dma_start3A_56 : memref<25x128xi32, #tpu.memory_space<vmem>>) target_semaphore(%run_scoped3A_47 : memref<!tpu.dma_semaphore, #tpu.memory_space<semaphore_mem>>)
      %dma_wait3A = arith.constant 25 : i32
      %dma_wait3A_61 = arith.constant 0 : i32
      %dma_wait3A_62 = tpu.memref_slice %arg8[%dma_wait3A, %dma_wait3A_61] : memref<100x128xi32, #tpu.memory_space<vmem>> -> memref<25x128xi32, #tpu.memory_space<vmem>>
      %dma_wait3A_63 = arith.constant 0 : i32
      %dma_wait3A_64 = arith.constant 0 : i32
      %dma_wait3A_65 = tpu.memref_slice %arg4[%run_scoped3A_11, %add3A, %dma_wait3A_63, %dma_wait3A_64] : memref<4x32x25x128xi32, #tpu.memory_space<hbm>> -> memref<1x1x25x128xi32, #tpu.memory_space<hbm>>
      %dma_wait3A_66 = tpu.memref_squeeze %dma_wait3A_65 : memref<1x1x25x128xi32, #tpu.memory_space<hbm>> -> memref<25x128xi32, #tpu.memory_space<hbm>>
      %dma_wait3A_67 = arith.constant 25 : i32
      %dma_wait3A_68 = arith.constant 0 : i32
      %dma_wait3A_69 = tpu.memref_slice %arg8[%dma_wait3A_67, %dma_wait3A_68] : memref<100x128xi32, #tpu.memory_space<vmem>> -> memref<25x128xi32, #tpu.memory_space<vmem>>
      %dma_wait3A_70 = arith.constant 0 : i32
      %dma_wait3A_71 = arith.constant 0 : i32
      %dma_wait3A_72 = tpu.memref_slice %arg4[%run_scoped3A_11, %add3A, %dma_wait3A_70, %dma_wait3A_71] : memref<4x32x25x128xi32, #tpu.memory_space<hbm>> -> memref<1x1x25x128xi32, #tpu.memory_space<hbm>>
      %dma_wait3A_73 = tpu.memref_squeeze %dma_wait3A_72 : memref<1x1x25x128xi32, #tpu.memory_space<hbm>> -> memref<25x128xi32, #tpu.memory_space<hbm>>
      tpu.wait_dma2 semaphore(%run_scoped3A_47 : memref<!tpu.dma_semaphore, #tpu.memory_space<semaphore_mem>>) src(%dma_wait3A_73 : memref<25x128xi32, #tpu.memory_space<hbm>>) dst(%dma_wait3A_69 : memref<25x128xi32, #tpu.memory_space<vmem>>)
      tpu.yield
    }) : () -> ()
    %run_scoped3A_12 = arith.constant 2 : i32
    "tpu.region"() ({
      %run_scoped3A_47 = tpu.sem_alloc : memref<!tpu.dma_semaphore, #tpu.memory_space<semaphore_mem>>
      %dma_start3A = arith.constant 6400 : i32
      %dma_start3A_48 = tpu.memref_slice %arg7[%dma_start3A] : memref<12800xi32, #tpu.memory_space<vmem>> -> memref<3200xi32, #tpu.memory_space<vmem>>
      %dma_start3A_49 = arith.constant 0 : i32
      %dma_start3A_50 = tpu.memref_slice %arg3[%run_scoped3A_12, %add3A, %dma_start3A_49] : memref<4x32x3200xi32, #tpu.memory_space<hbm>> -> memref<1x1x3200xi32, #tpu.memory_space<hbm>>
      %dma_start3A_51 = tpu.memref_squeeze %dma_start3A_50 : memref<1x1x3200xi32, #tpu.memory_space<hbm>> -> memref<3200xi32, #tpu.memory_space<hbm>>
      %dma_start3A_52 = arith.constant 6400 : i32
      %dma_start3A_53 = tpu.memref_slice %arg7[%dma_start3A_52] : memref<12800xi32, #tpu.memory_space<vmem>> -> memref<3200xi32, #tpu.memory_space<vmem>>
      %dma_start3A_54 = arith.constant 0 : i32
      %dma_start3A_55 = tpu.memref_slice %arg3[%run_scoped3A_12, %add3A, %dma_start3A_54] : memref<4x32x3200xi32, #tpu.memory_space<hbm>> -> memref<1x1x3200xi32, #tpu.memory_space<hbm>>
      %dma_start3A_56 = tpu.memref_squeeze %dma_start3A_55 : memref<1x1x3200xi32, #tpu.memory_space<hbm>> -> memref<3200xi32, #tpu.memory_space<hbm>>
      tpu.enqueue_dma source(%dma_start3A_56 : memref<3200xi32, #tpu.memory_space<hbm>>) target(%dma_start3A_53 : memref<3200xi32, #tpu.memory_space<vmem>>) target_semaphore(%run_scoped3A_47 : memref<!tpu.dma_semaphore, #tpu.memory_space<semaphore_mem>>)
      %dma_wait3A = arith.constant 6400 : i32
      %dma_wait3A_57 = tpu.memref_slice %arg7[%dma_wait3A] : memref<12800xi32, #tpu.memory_space<vmem>> -> memref<3200xi32, #tpu.memory_space<vmem>>
      %dma_wait3A_58 = arith.constant 0 : i32
      %dma_wait3A_59 = tpu.memref_slice %arg3[%run_scoped3A_12, %add3A, %dma_wait3A_58] : memref<4x32x3200xi32, #tpu.memory_space<hbm>> -> memref<1x1x3200xi32, #tpu.memory_space<hbm>>
      %dma_wait3A_60 = tpu.memref_squeeze %dma_wait3A_59 : memref<1x1x3200xi32, #tpu.memory_space<hbm>> -> memref<3200xi32, #tpu.memory_space<hbm>>
      %dma_wait3A_61 = arith.constant 6400 : i32
      %dma_wait3A_62 = tpu.memref_slice %arg7[%dma_wait3A_61] : memref<12800xi32, #tpu.memory_space<vmem>> -> memref<3200xi32, #tpu.memory_space<vmem>>
      %dma_wait3A_63 = arith.constant 0 : i32
      %dma_wait3A_64 = tpu.memref_slice %arg3[%run_scoped3A_12, %add3A, %dma_wait3A_63] : memref<4x32x3200xi32, #tpu.memory_space<hbm>> -> memref<1x1x3200xi32, #tpu.memory_space<hbm>>
      %dma_wait3A_65 = tpu.memref_squeeze %dma_wait3A_64 : memref<1x1x3200xi32, #tpu.memory_space<hbm>> -> memref<3200xi32, #tpu.memory_space<hbm>>
      tpu.wait_dma2 semaphore(%run_scoped3A_47 : memref<!tpu.dma_semaphore, #tpu.memory_space<semaphore_mem>>) src(%dma_wait3A_65 : memref<3200xi32, #tpu.memory_space<hbm>>) dst(%dma_wait3A_62 : memref<3200xi32, #tpu.memory_space<vmem>>)
      tpu.yield
    }) : () -> ()
    %run_scoped3A_13 = arith.constant 2 : i32
    "tpu.region"() ({
      %run_scoped3A_47 = tpu.sem_alloc : memref<!tpu.dma_semaphore, #tpu.memory_space<semaphore_mem>>
      %dma_start3A = arith.constant 50 : i32
      %dma_start3A_48 = arith.constant 0 : i32
      %dma_start3A_49 = tpu.memref_slice %arg8[%dma_start3A, %dma_start3A_48] : memref<100x128xi32, #tpu.memory_space<vmem>> -> memref<25x128xi32, #tpu.memory_space<vmem>>
      %dma_start3A_50 = arith.constant 0 : i32
      %dma_start3A_51 = arith.constant 0 : i32
      %dma_start3A_52 = tpu.memref_slice %arg4[%run_scoped3A_13, %add3A, %dma_start3A_50, %dma_start3A_51] : memref<4x32x25x128xi32, #tpu.memory_space<hbm>> -> memref<1x1x25x128xi32, #tpu.memory_space<hbm>>
      %dma_start3A_53 = tpu.memref_squeeze %dma_start3A_52 : memref<1x1x25x128xi32, #tpu.memory_space<hbm>> -> memref<25x128xi32, #tpu.memory_space<hbm>>
      %dma_start3A_54 = arith.constant 50 : i32
      %dma_start3A_55 = arith.constant 0 : i32
      %dma_start3A_56 = tpu.memref_slice %arg8[%dma_start3A_54, %dma_start3A_55] : memref<100x128xi32, #tpu.memory_space<vmem>> -> memref<25x128xi32, #tpu.memory_space<vmem>>
      %dma_start3A_57 = arith.constant 0 : i32
      %dma_start3A_58 = arith.constant 0 : i32
      %dma_start3A_59 = tpu.memref_slice %arg4[%run_scoped3A_13, %add3A, %dma_start3A_57, %dma_start3A_58] : memref<4x32x25x128xi32, #tpu.memory_space<hbm>> -> memref<1x1x25x128xi32, #tpu.memory_space<hbm>>
      %dma_start3A_60 = tpu.memref_squeeze %dma_start3A_59 : memref<1x1x25x128xi32, #tpu.memory_space<hbm>> -> memref<25x128xi32, #tpu.memory_space<hbm>>
      tpu.enqueue_dma source(%dma_start3A_60 : memref<25x128xi32, #tpu.memory_space<hbm>>) target(%dma_start3A_56 : memref<25x128xi32, #tpu.memory_space<vmem>>) target_semaphore(%run_scoped3A_47 : memref<!tpu.dma_semaphore, #tpu.memory_space<semaphore_mem>>)
      %dma_wait3A = arith.constant 50 : i32
      %dma_wait3A_61 = arith.constant 0 : i32
      %dma_wait3A_62 = tpu.memref_slice %arg8[%dma_wait3A, %dma_wait3A_61] : memref<100x128xi32, #tpu.memory_space<vmem>> -> memref<25x128xi32, #tpu.memory_space<vmem>>
      %dma_wait3A_63 = arith.constant 0 : i32
      %dma_wait3A_64 = arith.constant 0 : i32
      %dma_wait3A_65 = tpu.memref_slice %arg4[%run_scoped3A_13, %add3A, %dma_wait3A_63, %dma_wait3A_64] : memref<4x32x25x128xi32, #tpu.memory_space<hbm>> -> memref<1x1x25x128xi32, #tpu.memory_space<hbm>>
      %dma_wait3A_66 = tpu.memref_squeeze %dma_wait3A_65 : memref<1x1x25x128xi32, #tpu.memory_space<hbm>> -> memref<25x128xi32, #tpu.memory_space<hbm>>
      %dma_wait3A_67 = arith.constant 50 : i32
      %dma_wait3A_68 = arith.constant 0 : i32
      %dma_wait3A_69 = tpu.memref_slice %arg8[%dma_wait3A_67, %dma_wait3A_68] : memref<100x128xi32, #tpu.memory_space<vmem>> -> memref<25x128xi32, #tpu.memory_space<vmem>>
      %dma_wait3A_70 = arith.constant 0 : i32
      %dma_wait3A_71 = arith.constant 0 : i32
      %dma_wait3A_72 = tpu.memref_slice %arg4[%run_scoped3A_13, %add3A, %dma_wait3A_70, %dma_wait3A_71] : memref<4x32x25x128xi32, #tpu.memory_space<hbm>> -> memref<1x1x25x128xi32, #tpu.memory_space<hbm>>
      %dma_wait3A_73 = tpu.memref_squeeze %dma_wait3A_72 : memref<1x1x25x128xi32, #tpu.memory_space<hbm>> -> memref<25x128xi32, #tpu.memory_space<hbm>>
      tpu.wait_dma2 semaphore(%run_scoped3A_47 : memref<!tpu.dma_semaphore, #tpu.memory_space<semaphore_mem>>) src(%dma_wait3A_73 : memref<25x128xi32, #tpu.memory_space<hbm>>) dst(%dma_wait3A_69 : memref<25x128xi32, #tpu.memory_space<vmem>>)
      tpu.yield
    }) : () -> ()
    %run_scoped3A_14 = arith.constant 3 : i32
    "tpu.region"() ({
      %run_scoped3A_47 = tpu.sem_alloc : memref<!tpu.dma_semaphore, #tpu.memory_space<semaphore_mem>>
      %dma_start3A = arith.constant 9600 : i32
      %dma_start3A_48 = tpu.memref_slice %arg7[%dma_start3A] : memref<12800xi32, #tpu.memory_space<vmem>> -> memref<3200xi32, #tpu.memory_space<vmem>>
      %dma_start3A_49 = arith.constant 0 : i32
      %dma_start3A_50 = tpu.memref_slice %arg3[%run_scoped3A_14, %add3A, %dma_start3A_49] : memref<4x32x3200xi32, #tpu.memory_space<hbm>> -> memref<1x1x3200xi32, #tpu.memory_space<hbm>>
      %dma_start3A_51 = tpu.memref_squeeze %dma_start3A_50 : memref<1x1x3200xi32, #tpu.memory_space<hbm>> -> memref<3200xi32, #tpu.memory_space<hbm>>
      %dma_start3A_52 = arith.constant 9600 : i32
      %dma_start3A_53 = tpu.memref_slice %arg7[%dma_start3A_52] : memref<12800xi32, #tpu.memory_space<vmem>> -> memref<3200xi32, #tpu.memory_space<vmem>>
      %dma_start3A_54 = arith.constant 0 : i32
      %dma_start3A_55 = tpu.memref_slice %arg3[%run_scoped3A_14, %add3A, %dma_start3A_54] : memref<4x32x3200xi32, #tpu.memory_space<hbm>> -> memref<1x1x3200xi32, #tpu.memory_space<hbm>>
      %dma_start3A_56 = tpu.memref_squeeze %dma_start3A_55 : memref<1x1x3200xi32, #tpu.memory_space<hbm>> -> memref<3200xi32, #tpu.memory_space<hbm>>
      tpu.enqueue_dma source(%dma_start3A_56 : memref<3200xi32, #tpu.memory_space<hbm>>) target(%dma_start3A_53 : memref<3200xi32, #tpu.memory_space<vmem>>) target_semaphore(%run_scoped3A_47 : memref<!tpu.dma_semaphore, #tpu.memory_space<semaphore_mem>>)
      %dma_wait3A = arith.constant 9600 : i32
      %dma_wait3A_57 = tpu.memref_slice %arg7[%dma_wait3A] : memref<12800xi32, #tpu.memory_space<vmem>> -> memref<3200xi32, #tpu.memory_space<vmem>>
      %dma_wait3A_58 = arith.constant 0 : i32
      %dma_wait3A_59 = tpu.memref_slice %arg3[%run_scoped3A_14, %add3A, %dma_wait3A_58] : memref<4x32x3200xi32, #tpu.memory_space<hbm>> -> memref<1x1x3200xi32, #tpu.memory_space<hbm>>
      %dma_wait3A_60 = tpu.memref_squeeze %dma_wait3A_59 : memref<1x1x3200xi32, #tpu.memory_space<hbm>> -> memref<3200xi32, #tpu.memory_space<hbm>>
      %dma_wait3A_61 = arith.constant 9600 : i32
      %dma_wait3A_62 = tpu.memref_slice %arg7[%dma_wait3A_61] : memref<12800xi32, #tpu.memory_space<vmem>> -> memref<3200xi32, #tpu.memory_space<vmem>>
      %dma_wait3A_63 = arith.constant 0 : i32
      %dma_wait3A_64 = tpu.memref_slice %arg3[%run_scoped3A_14, %add3A, %dma_wait3A_63] : memref<4x32x3200xi32, #tpu.memory_space<hbm>> -> memref<1x1x3200xi32, #tpu.memory_space<hbm>>
      %dma_wait3A_65 = tpu.memref_squeeze %dma_wait3A_64 : memref<1x1x3200xi32, #tpu.memory_space<hbm>> -> memref<3200xi32, #tpu.memory_space<hbm>>
      tpu.wait_dma2 semaphore(%run_scoped3A_47 : memref<!tpu.dma_semaphore, #tpu.memory_space<semaphore_mem>>) src(%dma_wait3A_65 : memref<3200xi32, #tpu.memory_space<hbm>>) dst(%dma_wait3A_62 : memref<3200xi32, #tpu.memory_space<vmem>>)
      tpu.yield
    }) : () -> ()
    %run_scoped3A_15 = arith.constant 3 : i32
    "tpu.region"() ({
      %run_scoped3A_47 = tpu.sem_alloc : memref<!tpu.dma_semaphore, #tpu.memory_space<semaphore_mem>>
      %dma_start3A = arith.constant 75 : i32
      %dma_start3A_48 = arith.constant 0 : i32
      %dma_start3A_49 = tpu.memref_slice %arg8[%dma_start3A, %dma_start3A_48] : memref<100x128xi32, #tpu.memory_space<vmem>> -> memref<25x128xi32, #tpu.memory_space<vmem>>
      %dma_start3A_50 = arith.constant 0 : i32
      %dma_start3A_51 = arith.constant 0 : i32
      %dma_start3A_52 = tpu.memref_slice %arg4[%run_scoped3A_15, %add3A, %dma_start3A_50, %dma_start3A_51] : memref<4x32x25x128xi32, #tpu.memory_space<hbm>> -> memref<1x1x25x128xi32, #tpu.memory_space<hbm>>
      %dma_start3A_53 = tpu.memref_squeeze %dma_start3A_52 : memref<1x1x25x128xi32, #tpu.memory_space<hbm>> -> memref<25x128xi32, #tpu.memory_space<hbm>>
      %dma_start3A_54 = arith.constant 75 : i32
      %dma_start3A_55 = arith.constant 0 : i32
      %dma_start3A_56 = tpu.memref_slice %arg8[%dma_start3A_54, %dma_start3A_55] : memref<100x128xi32, #tpu.memory_space<vmem>> -> memref<25x128xi32, #tpu.memory_space<vmem>>
      %dma_start3A_57 = arith.constant 0 : i32
      %dma_start3A_58 = arith.constant 0 : i32
      %dma_start3A_59 = tpu.memref_slice %arg4[%run_scoped3A_15, %add3A, %dma_start3A_57, %dma_start3A_58] : memref<4x32x25x128xi32, #tpu.memory_space<hbm>> -> memref<1x1x25x128xi32, #tpu.memory_space<hbm>>
      %dma_start3A_60 = tpu.memref_squeeze %dma_start3A_59 : memref<1x1x25x128xi32, #tpu.memory_space<hbm>> -> memref<25x128xi32, #tpu.memory_space<hbm>>
      tpu.enqueue_dma source(%dma_start3A_60 : memref<25x128xi32, #tpu.memory_space<hbm>>) target(%dma_start3A_56 : memref<25x128xi32, #tpu.memory_space<vmem>>) target_semaphore(%run_scoped3A_47 : memref<!tpu.dma_semaphore, #tpu.memory_space<semaphore_mem>>)
      %dma_wait3A = arith.constant 75 : i32
      %dma_wait3A_61 = arith.constant 0 : i32
      %dma_wait3A_62 = tpu.memref_slice %arg8[%dma_wait3A, %dma_wait3A_61] : memref<100x128xi32, #tpu.memory_space<vmem>> -> memref<25x128xi32, #tpu.memory_space<vmem>>
      %dma_wait3A_63 = arith.constant 0 : i32
      %dma_wait3A_64 = arith.constant 0 : i32
      %dma_wait3A_65 = tpu.memref_slice %arg4[%run_scoped3A_15, %add3A, %dma_wait3A_63, %dma_wait3A_64] : memref<4x32x25x128xi32, #tpu.memory_space<hbm>> -> memref<1x1x25x128xi32, #tpu.memory_space<hbm>>
      %dma_wait3A_66 = tpu.memref_squeeze %dma_wait3A_65 : memref<1x1x25x128xi32, #tpu.memory_space<hbm>> -> memref<25x128xi32, #tpu.memory_space<hbm>>
      %dma_wait3A_67 = arith.constant 75 : i32
      %dma_wait3A_68 = arith.constant 0 : i32
      %dma_wait3A_69 = tpu.memref_slice %arg8[%dma_wait3A_67, %dma_wait3A_68] : memref<100x128xi32, #tpu.memory_space<vmem>> -> memref<25x128xi32, #tpu.memory_space<vmem>>
      %dma_wait3A_70 = arith.constant 0 : i32
      %dma_wait3A_71 = arith.constant 0 : i32
      %dma_wait3A_72 = tpu.memref_slice %arg4[%run_scoped3A_15, %add3A, %dma_wait3A_70, %dma_wait3A_71] : memref<4x32x25x128xi32, #tpu.memory_space<hbm>> -> memref<1x1x25x128xi32, #tpu.memory_space<hbm>>
      %dma_wait3A_73 = tpu.memref_squeeze %dma_wait3A_72 : memref<1x1x25x128xi32, #tpu.memory_space<hbm>> -> memref<25x128xi32, #tpu.memory_space<hbm>>
      tpu.wait_dma2 semaphore(%run_scoped3A_47 : memref<!tpu.dma_semaphore, #tpu.memory_space<semaphore_mem>>) src(%dma_wait3A_73 : memref<25x128xi32, #tpu.memory_space<hbm>>) dst(%dma_wait3A_69 : memref<25x128xi32, #tpu.memory_space<vmem>>)
      tpu.yield
    }) : () -> ()
    %barrier3A = arith.constant 0 : index
    tpu.barrier barrier_id(%barrier3A)
    %scan3A = arith.constant 0 : i32
    %scan3A_16 = arith.constant 0 : i32
    %scan3A_17 = arith.constant 100 : i32
    %scan3A_18 = arith.addi %scan3A_16, %scan3A_17 : i32
    %scan3A_19 = arith.constant 1 : i32
    scf.for %scan3A_47 = %scan3A_16 to %scan3A_18 step %scan3A_19  : i32 {
      %mul3A_48 = arith.constant 128 : i32
      %mul3A_49 = arith.muli %scan3A_47, %mul3A_48 : i32
      "tpu.region"() ({
        %run_scoped3A_50 = tpu.sem_alloc : memref<!tpu.dma_semaphore, #tpu.memory_space<semaphore_mem>>
        %dma_start3A = tpu.memref_slice %arg10[%mul3A_49] : memref<12800xf32, #tpu.memory_space<vmem>> -> memref<128xf32, #tpu.memory_space<vmem>>
        %dma_start3A_51 = tpu.memref_slice %arg7[%mul3A_49] : memref<12800xi32, #tpu.memory_space<vmem>> -> memref<128xi32, #tpu.memory_space<vmem>>
        %dma_start3A_52 = arith.constant 0 : i32
        %dma_start3A_53 = tpu.memref_slice %arg12[%dma_start3A_52] : memref<100352xf32, #tpu.memory_space<vmem_shared>> -> memref<100352xf32, #tpu.memory_space<vmem_shared>>
        tpu.enqueue_indirect_dma source(%dma_start3A_53 : memref<100352xf32, #tpu.memory_space<vmem_shared>>) target(%dma_start3A : memref<128xf32, #tpu.memory_space<vmem>>) offsets(%dma_start3A_51 : memref<128xi32, #tpu.memory_space<vmem>>) semaphore(%run_scoped3A_50 : memref<!tpu.dma_semaphore, #tpu.memory_space<semaphore_mem>>)
        %dma_wait3A = tpu.memref_slice %arg10[%mul3A_49] : memref<12800xf32, #tpu.memory_space<vmem>> -> memref<128xf32, #tpu.memory_space<vmem>>
        %dma_wait3A_54 = tpu.memref_slice %arg7[%mul3A_49] : memref<12800xi32, #tpu.memory_space<vmem>> -> memref<128xi32, #tpu.memory_space<vmem>>
        %dma_wait3A_55 = arith.constant 0 : i32
        %dma_wait3A_56 = tpu.memref_slice %arg12[%dma_wait3A_55] : memref<100352xf32, #tpu.memory_space<vmem_shared>> -> memref<100352xf32, #tpu.memory_space<vmem_shared>>
        tpu.wait_indirect_dma semaphore(%run_scoped3A_50 : memref<!tpu.dma_semaphore, #tpu.memory_space<semaphore_mem>>) src(%dma_wait3A_56 : memref<100352xf32, #tpu.memory_space<vmem_shared>>) dst(%dma_wait3A : memref<128xf32, #tpu.memory_space<vmem>>)
        tpu.yield
      }) : () -> ()
    }
    %scan3A_20 = arith.constant 100 : i32
    %mul3A_21 = arith.constant 3200 : i32
    %mul3A_22 = arith.muli %add3A, %mul3A_21 : i32
    %iota3A = tpu.iota {dimensions = array<i32: 0>} : vector<16xi32>
    %scan3A_23 = arith.constant 0 : i32
    %scan3A_24 = arith.constant 0 : i32
    %scan3A_25 = arith.constant 200 : i32
    %scan3A_26 = arith.addi %scan3A_24, %scan3A_25 : i32
    %scan3A_27 = arith.constant 1 : i32
    scf.for %scan3A_47 = %scan3A_24 to %scan3A_26 step %scan3A_27  : i32 {
      %mul3A_48 = arith.constant 16 : i32
      %mul3A_49 = arith.muli %scan3A_47, %mul3A_48 : i32
      %add3A_50 = vector.broadcast %mul3A_49 : i32 to vector<16xi32>
      %add3A_51 = arith.addi %add3A_50, %iota3A : vector<16xi32>
      %add3A_52 = arith.constant 0 : i32
      %add3A_53 = vector.broadcast %add3A_52 : i32 to vector<16xi32>
      %add3A_54 = arith.addi %add3A_51, %add3A_53 : vector<16xi32>
      %gather3A = tpu.vector_load_idx %arg10[%add3A_54] : memref<12800xf32, #tpu.memory_space<vmem>>[vector<16xi32>], vector<16xf32>,
      %add3A_55 = arith.constant 3200 : i32
      %add3A_56 = vector.broadcast %add3A_55 : i32 to vector<16xi32>
      %add3A_57 = arith.addi %add3A_51, %add3A_56 : vector<16xi32>
      %gather3A_58 = tpu.vector_load_idx %arg10[%add3A_57] : memref<12800xf32, #tpu.memory_space<vmem>>[vector<16xi32>], vector<16xf32>,
      %add3A_59 = arith.constant 6400 : i32
      %add3A_60 = vector.broadcast %add3A_59 : i32 to vector<16xi32>
      %add3A_61 = arith.addi %add3A_51, %add3A_60 : vector<16xi32>
      %gather3A_62 = tpu.vector_load_idx %arg10[%add3A_61] : memref<12800xf32, #tpu.memory_space<vmem>>[vector<16xi32>], vector<16xf32>,
      %add3A_63 = arith.constant 9600 : i32
      %add3A_64 = vector.broadcast %add3A_63 : i32 to vector<16xi32>
      %add3A_65 = arith.addi %add3A_51, %add3A_64 : vector<16xi32>
      %gather3A_66 = tpu.vector_load_idx %arg10[%add3A_65] : memref<12800xf32, #tpu.memory_space<vmem>>[vector<16xi32>], vector<16xf32>,
      %max3A = arith.maximumf %gather3A, %gather3A_58 : vector<16xf32>
      %max3A_67 = arith.maximumf %gather3A_62, %gather3A_66 : vector<16xf32>
      %max3A_68 = arith.maximumf %max3A, %max3A_67 : vector<16xf32>
      %sub3A = arith.subf %gather3A, %max3A_68 : vector<16xf32>
      %exp3A = math.exp %sub3A : vector<16xf32>
      %sub3A_69 = arith.subf %gather3A_58, %max3A_68 : vector<16xf32>
      %exp3A_70 = math.exp %sub3A_69 : vector<16xf32>
      %sub3A_71 = arith.subf %gather3A_62, %max3A_68 : vector<16xf32>
      %exp3A_72 = math.exp %sub3A_71 : vector<16xf32>
      %sub3A_73 = arith.subf %gather3A_66, %max3A_68 : vector<16xf32>
      %exp3A_74 = math.exp %sub3A_73 : vector<16xf32>
      %add3A_75 = arith.addf %exp3A, %exp3A_70 : vector<16xf32>
      %add3A_76 = arith.addf %add3A_75, %exp3A_72 : vector<16xf32>
      %add3A_77 = arith.addf %add3A_76, %exp3A_74 : vector<16xf32>
      %div3A = arith.constant 1.000000e+00 : f32
      %div3A_78 = vector.broadcast %div3A : f32 to vector<16xf32>
      %div3A_79 = arith.divf %div3A_78, %add3A_77 : vector<16xf32>
      %mul3A_80 = arith.constant 16 : i32
      %mul3A_81 = arith.muli %scan3A_47, %mul3A_80 : i32
      %add3A_82 = arith.addi %mul3A_22, %mul3A_81 : i32
      %add3A_83 = vector.broadcast %add3A_82 : i32 to vector<16xi32>
      %add3A_84 = arith.addi %add3A_83, %iota3A : vector<16xi32>
      %lt3A = arith.constant 100000 : i32
      %lt3A_85 = vector.broadcast %lt3A : i32 to vector<16xi32>
      %lt3A_86 = arith.cmpi slt, %add3A_84, %lt3A_85 : vector<16xi32>
      %add3A_87 = arith.constant 0 : i32
      %add3A_88 = vector.broadcast %add3A_87 : i32 to vector<16xi32>
      %add3A_89 = arith.addi %add3A_51, %add3A_88 : vector<16xi32>
      %mul3A_90 = arith.mulf %exp3A, %div3A_79 : vector<16xf32>
      %jit3A = arith.constant 0.000000e+00 : f32
      %broadcast_in_dim3A = vector.broadcast %jit3A : f32 to vector<16xf32>
      %select_n3A = arith.select %lt3A_86, %mul3A_90, %broadcast_in_dim3A : vector<16xi1>, vector<16xf32>
      tpu.vector_store_idx %arg9[%add3A_89], %select_n3A : memref<12800xf32, #tpu.memory_space<vmem>>[vector<16xi32>], vector<16xf32>,
      %add3A_91 = arith.constant 3200 : i32
      %add3A_92 = vector.broadcast %add3A_91 : i32 to vector<16xi32>
      %add3A_93 = arith.addi %add3A_51, %add3A_92 : vector<16xi32>
      %mul3A_94 = arith.mulf %exp3A_70, %div3A_79 : vector<16xf32>
      %jit3A_95 = arith.constant 0.000000e+00 : f32
      %broadcast_in_dim3A_96 = vector.broadcast %jit3A_95 : f32 to vector<16xf32>
      %select_n3A_97 = arith.select %lt3A_86, %mul3A_94, %broadcast_in_dim3A_96 : vector<16xi1>, vector<16xf32>
      tpu.vector_store_idx %arg9[%add3A_93], %select_n3A_97 : memref<12800xf32, #tpu.memory_space<vmem>>[vector<16xi32>], vector<16xf32>,
      %add3A_98 = arith.constant 6400 : i32
      %add3A_99 = vector.broadcast %add3A_98 : i32 to vector<16xi32>
      %add3A_100 = arith.addi %add3A_51, %add3A_99 : vector<16xi32>
      %mul3A_101 = arith.mulf %exp3A_72, %div3A_79 : vector<16xf32>
      %jit3A_102 = arith.constant 0.000000e+00 : f32
      %broadcast_in_dim3A_103 = vector.broadcast %jit3A_102 : f32 to vector<16xf32>
      %select_n3A_104 = arith.select %lt3A_86, %mul3A_101, %broadcast_in_dim3A_103 : vector<16xi1>, vector<16xf32>
      tpu.vector_store_idx %arg9[%add3A_100], %select_n3A_104 : memref<12800xf32, #tpu.memory_space<vmem>>[vector<16xi32>], vector<16xf32>,
      %add3A_105 = arith.constant 9600 : i32
      %add3A_106 = vector.broadcast %add3A_105 : i32 to vector<16xi32>
      %add3A_107 = arith.addi %add3A_51, %add3A_106 : vector<16xi32>
      %mul3A_108 = arith.mulf %exp3A_74, %div3A_79 : vector<16xf32>
      %jit3A_109 = arith.constant 0.000000e+00 : f32
      %broadcast_in_dim3A_110 = vector.broadcast %jit3A_109 : f32 to vector<16xf32>
      %select_n3A_111 = arith.select %lt3A_86, %mul3A_108, %broadcast_in_dim3A_110 : vector<16xi1>, vector<16xf32>
      tpu.vector_store_idx %arg9[%add3A_107], %select_n3A_111 : memref<12800xf32, #tpu.memory_space<vmem>>[vector<16xi32>], vector<16xf32>,
    }
    %scan3A_28 = arith.constant 200 : i32
    %scan3A_29 = arith.constant 0 : i32
    %scan3A_30 = arith.constant 0 : i32
    %scan3A_31 = arith.constant 100 : i32
    %scan3A_32 = arith.addi %scan3A_30, %scan3A_31 : i32
    %scan3A_33 = arith.constant 1 : i32
    scf.for %scan3A_47 = %scan3A_30 to %scan3A_32 step %scan3A_33  : i32 {
      %mul3A_48 = arith.constant 128 : i32
      %mul3A_49 = arith.muli %scan3A_47, %mul3A_48 : i32
      "tpu.region"() ({
        %run_scoped3A_50 = tpu.sem_alloc : memref<!tpu.dma_semaphore, #tpu.memory_space<semaphore_mem>>
        %dma_start3A = tpu.memref_slice %arg9[%mul3A_49] : memref<12800xf32, #tpu.memory_space<vmem>> -> memref<128xf32, #tpu.memory_space<vmem>>
        %dma_start3A_51 = arith.constant 0 : i32
        %dma_start3A_52 = tpu.memref_slice %arg8[%scan3A_47, %dma_start3A_51] : memref<100x128xi32, #tpu.memory_space<vmem>> -> memref<1x128xi32, #tpu.memory_space<vmem>>
        %dma_start3A_53 = tpu.memref_squeeze %dma_start3A_52 : memref<1x128xi32, #tpu.memory_space<vmem>> -> memref<128xi32, #tpu.memory_space<vmem>>
        %dma_start3A_54 = arith.constant 0 : i32
        %dma_start3A_55 = tpu.memref_slice %arg11[%dma_start3A_54] : memref<400000xf32, #tpu.memory_space<vmem_shared>> -> memref<400000xf32, #tpu.memory_space<vmem_shared>>
        tpu.enqueue_indirect_dma source(%dma_start3A : memref<128xf32, #tpu.memory_space<vmem>>) target(%dma_start3A_55 : memref<400000xf32, #tpu.memory_space<vmem_shared>>) offsets(%dma_start3A_53 : memref<128xi32, #tpu.memory_space<vmem>>) semaphore(%run_scoped3A_50 : memref<!tpu.dma_semaphore, #tpu.memory_space<semaphore_mem>>) {add = true}
        %dma_wait3A = tpu.memref_slice %arg9[%mul3A_49] : memref<12800xf32, #tpu.memory_space<vmem>> -> memref<128xf32, #tpu.memory_space<vmem>>
        %dma_wait3A_56 = arith.constant 0 : i32
        %dma_wait3A_57 = tpu.memref_slice %arg8[%scan3A_47, %dma_wait3A_56] : memref<100x128xi32, #tpu.memory_space<vmem>> -> memref<1x128xi32, #tpu.memory_space<vmem>>
        %dma_wait3A_58 = tpu.memref_squeeze %dma_wait3A_57 : memref<1x128xi32, #tpu.memory_space<vmem>> -> memref<128xi32, #tpu.memory_space<vmem>>
        %dma_wait3A_59 = arith.constant 0 : i32
        %dma_wait3A_60 = tpu.memref_slice %arg11[%dma_wait3A_59] : memref<400000xf32, #tpu.memory_space<vmem_shared>> -> memref<400000xf32, #tpu.memory_space<vmem_shared>>
        tpu.wait_indirect_dma semaphore(%run_scoped3A_50 : memref<!tpu.dma_semaphore, #tpu.memory_space<semaphore_mem>>) src(%dma_wait3A : memref<128xf32, #tpu.memory_space<vmem>>) dst(%dma_wait3A_60 : memref<400000xf32, #tpu.memory_space<vmem_shared>>)
        tpu.yield
      }) : () -> ()
    }
    %scan3A_34 = arith.constant 100 : i32
    %barrier3A_35 = arith.constant 0 : index
    tpu.barrier barrier_id(%barrier3A_35)
    %mul3A_36 = arith.constant 4 : i32
    %mul3A_37 = arith.muli %arg0, %mul3A_36 : i32
    %mul3A_38 = arith.constant 100000 : i32
    %mul3A_39 = arith.muli %mul3A_37, %mul3A_38 : i32
    %mul3A_40 = arith.constant 25000 : i32
    %mul3A_41 = arith.muli %arg1, %mul3A_40 : i32
    %add3A_42 = arith.addi %mul3A_39, %mul3A_41 : i32
    "tpu.region"() ({
      %run_scoped3A_47 = tpu.sem_alloc : memref<!tpu.dma_semaphore, #tpu.memory_space<semaphore_mem>>
      %dma_start3A = tpu.memref_slice %arg11[%mul3A_2] : memref<400000xf32, #tpu.memory_space<vmem_shared>> -> memref<12800xf32, #tpu.memory_space<vmem_shared>>
      %dma_start3A_48 = tpu.memref_slice %arg11[%mul3A_2] : memref<400000xf32, #tpu.memory_space<vmem_shared>> -> memref<12800xf32, #tpu.memory_space<vmem_shared>>
      tpu.enqueue_dma source(%dma_start3A_48 : memref<12800xf32, #tpu.memory_space<vmem_shared>>) target(%arg9 : memref<12800xf32, #tpu.memory_space<vmem>>) target_semaphore(%run_scoped3A_47 : memref<!tpu.dma_semaphore, #tpu.memory_space<semaphore_mem>>)
      %dma_wait3A = tpu.memref_slice %arg11[%mul3A_2] : memref<400000xf32, #tpu.memory_space<vmem_shared>> -> memref<12800xf32, #tpu.memory_space<vmem_shared>>
      %dma_wait3A_49 = tpu.memref_slice %arg11[%mul3A_2] : memref<400000xf32, #tpu.memory_space<vmem_shared>> -> memref<12800xf32, #tpu.memory_space<vmem_shared>>
      tpu.wait_dma2 semaphore(%run_scoped3A_47 : memref<!tpu.dma_semaphore, #tpu.memory_space<semaphore_mem>>) src(%dma_wait3A_49 : memref<12800xf32, #tpu.memory_space<vmem_shared>>) dst(%arg9 : memref<12800xf32, #tpu.memory_space<vmem>>)
      tpu.yield
    }) : () -> ()
    "tpu.region"() ({
      %run_scoped3A_47 = tpu.sem_alloc : memref<!tpu.dma_semaphore, #tpu.memory_space<semaphore_mem>>
      %dma_start3A = tpu.memref_slice %arg6[%add3A_42] : memref<800000xf32, #tpu.memory_space<hbm>> -> memref<12800xf32, #tpu.memory_space<hbm>>
      %dma_start3A_48 = tpu.memref_slice %arg6[%add3A_42] : memref<800000xf32, #tpu.memory_space<hbm>> -> memref<12800xf32, #tpu.memory_space<hbm>>
      tpu.enqueue_dma source(%arg9 : memref<12800xf32, #tpu.memory_space<vmem>>) target(%dma_start3A_48 : memref<12800xf32, #tpu.memory_space<hbm>>) target_semaphore(%run_scoped3A_47 : memref<!tpu.dma_semaphore, #tpu.memory_space<semaphore_mem>>)
      %dma_wait3A = tpu.memref_slice %arg6[%add3A_42] : memref<800000xf32, #tpu.memory_space<hbm>> -> memref<12800xf32, #tpu.memory_space<hbm>>
      %dma_wait3A_49 = tpu.memref_slice %arg6[%add3A_42] : memref<800000xf32, #tpu.memory_space<hbm>> -> memref<12800xf32, #tpu.memory_space<hbm>>
      tpu.wait_dma2 semaphore(%run_scoped3A_47 : memref<!tpu.dma_semaphore, #tpu.memory_space<semaphore_mem>>) src(%arg9 : memref<12800xf32, #tpu.memory_space<vmem>>) dst(%dma_wait3A_49 : memref<12800xf32, #tpu.memory_space<hbm>>)
      tpu.yield
    }) : () -> ()
    %add3A_43 = arith.constant 12800 : i32
    %add3A_44 = arith.addi %mul3A_2, %add3A_43 : i32
    "tpu.region"() ({
      %run_scoped3A_47 = tpu.sem_alloc : memref<!tpu.dma_semaphore, #tpu.memory_space<semaphore_mem>>
      %dma_start3A = arith.constant 0 : i32
      %dma_start3A_48 = tpu.memref_slice %arg9[%dma_start3A] : memref<12800xf32, #tpu.memory_space<vmem>> -> memref<12200xf32, #tpu.memory_space<vmem>>
      %dma_start3A_49 = tpu.memref_slice %arg11[%add3A_44] : memref<400000xf32, #tpu.memory_space<vmem_shared>> -> memref<12200xf32, #tpu.memory_space<vmem_shared>>
      %dma_start3A_50 = arith.constant 0 : i32
      %dma_start3A_51 = tpu.memref_slice %arg9[%dma_start3A_50] : memref<12800xf32, #tpu.memory_space<vmem>> -> memref<12200xf32, #tpu.memory_space<vmem>>
      %dma_start3A_52 = tpu.memref_slice %arg11[%add3A_44] : memref<400000xf32, #tpu.memory_space<vmem_shared>> -> memref<12200xf32, #tpu.memory_space<vmem_shared>>
      tpu.enqueue_dma source(%dma_start3A_52 : memref<12200xf32, #tpu.memory_space<vmem_shared>>) target(%dma_start3A_51 : memref<12200xf32, #tpu.memory_space<vmem>>) target_semaphore(%run_scoped3A_47 : memref<!tpu.dma_semaphore, #tpu.memory_space<semaphore_mem>>)
      %dma_wait3A = arith.constant 0 : i32
      %dma_wait3A_53 = tpu.memref_slice %arg9[%dma_wait3A] : memref<12800xf32, #tpu.memory_space<vmem>> -> memref<12200xf32, #tpu.memory_space<vmem>>
      %dma_wait3A_54 = tpu.memref_slice %arg11[%add3A_44] : memref<400000xf32, #tpu.memory_space<vmem_shared>> -> memref<12200xf32, #tpu.memory_space<vmem_shared>>
      %dma_wait3A_55 = arith.constant 0 : i32
      %dma_wait3A_56 = tpu.memref_slice %arg9[%dma_wait3A_55] : memref<12800xf32, #tpu.memory_space<vmem>> -> memref<12200xf32, #tpu.memory_space<vmem>>
      %dma_wait3A_57 = tpu.memref_slice %arg11[%add3A_44] : memref<400000xf32, #tpu.memory_space<vmem_shared>> -> memref<12200xf32, #tpu.memory_space<vmem_shared>>
      tpu.wait_dma2 semaphore(%run_scoped3A_47 : memref<!tpu.dma_semaphore, #tpu.memory_space<semaphore_mem>>) src(%dma_wait3A_57 : memref<12200xf32, #tpu.memory_space<vmem_shared>>) dst(%dma_wait3A_56 : memref<12200xf32, #tpu.memory_space<vmem>>)
      tpu.yield
    }) : () -> ()
    %add3A_45 = arith.constant 12800 : i32
    %add3A_46 = arith.addi %add3A_42, %add3A_45 : i32
    "tpu.region"() ({
      %run_scoped3A_47 = tpu.sem_alloc : memref<!tpu.dma_semaphore, #tpu.memory_space<semaphore_mem>>
      %dma_start3A = arith.constant 0 : i32
      %dma_start3A_48 = tpu.memref_slice %arg9[%dma_start3A] : memref<12800xf32, #tpu.memory_space<vmem>> -> memref<12200xf32, #tpu.memory_space<vmem>>
      %dma_start3A_49 = tpu.memref_slice %arg6[%add3A_46] : memref<800000xf32, #tpu.memory_space<hbm>> -> memref<12200xf32, #tpu.memory_space<hbm>>
      %dma_start3A_50 = tpu.memref_slice %arg6[%add3A_46] : memref<800000xf32, #tpu.memory_space<hbm>> -> memref<12200xf32, #tpu.memory_space<hbm>>
      %dma_start3A_51 = arith.constant 0 : i32
      %dma_start3A_52 = tpu.memref_slice %arg9[%dma_start3A_51] : memref<12800xf32, #tpu.memory_space<vmem>> -> memref<12200xf32, #tpu.memory_space<vmem>>
      tpu.enqueue_dma source(%dma_start3A_52 : memref<12200xf32, #tpu.memory_space<vmem>>) target(%dma_start3A_50 : memref<12200xf32, #tpu.memory_space<hbm>>) target_semaphore(%run_scoped3A_47 : memref<!tpu.dma_semaphore, #tpu.memory_space<semaphore_mem>>)
      %dma_wait3A = arith.constant 0 : i32
      %dma_wait3A_53 = tpu.memref_slice %arg9[%dma_wait3A] : memref<12800xf32, #tpu.memory_space<vmem>> -> memref<12200xf32, #tpu.memory_space<vmem>>
      %dma_wait3A_54 = tpu.memref_slice %arg6[%add3A_46] : memref<800000xf32, #tpu.memory_space<hbm>> -> memref<12200xf32, #tpu.memory_space<hbm>>
      %dma_wait3A_55 = tpu.memref_slice %arg6[%add3A_46] : memref<800000xf32, #tpu.memory_space<hbm>> -> memref<12200xf32, #tpu.memory_space<hbm>>
      %dma_wait3A_56 = arith.constant 0 : i32
      %dma_wait3A_57 = tpu.memref_slice %arg9[%dma_wait3A_56] : memref<12800xf32, #tpu.memory_space<vmem>> -> memref<12200xf32, #tpu.memory_space<vmem>>
      tpu.wait_dma2 semaphore(%run_scoped3A_47 : memref<!tpu.dma_semaphore, #tpu.memory_space<semaphore_mem>>) src(%dma_wait3A_57 : memref<12200xf32, #tpu.memory_space<vmem>>) dst(%dma_wait3A_55 : memref<12200xf32, #tpu.memory_space<hbm>>)
      tpu.yield
    }) : () -> ()
    return
  }
}

module attributes {stable_mosaic.version = 14 : i64} {
  func.func @_u_body(%arg0: i32, %arg1: memref<2048x128xf32, #tpu.memory_space<vmem>>, %arg2: memref<128x128xf32, #tpu.memory_space<vmem>>, %arg3: memref<8x128xf32, #tpu.memory_space<vmem>>, %arg4: memref<8x2048xf32, #tpu.memory_space<vmem>>) attributes {dimension_semantics = [#tpu.dimension_semantics<arbitrary>], iteration_bounds = array<i64: 49>, scalar_prefetch = 0 : i64, scratch_operands = 0 : i64, tpu.core_type = #tpu.core_type<tc>, window_params = [{transform_indices = @transform_0, window_bounds = array<i64: 2048, 128>}, {pipeline_mode = #tpu.pipeline_mode<synchronous>, transform_indices = @transform_1, window_bounds = array<i64: 128, 128>}, {pipeline_mode = #tpu.pipeline_mode<synchronous>, transform_indices = @transform_2, window_bounds = array<i64: 8, 128>}, {transform_indices = @transform_3, window_bounds = array<i64: 8, 2048>}]} {
    %get3A = arith.constant 0 : index
    %get3A_0 = arith.constant 0 : index
    %get3A_1 = vector.load %arg1[%get3A, %get3A_0] : memref<2048x128xf32, #tpu.memory_space<vmem>>, vector<2048x128xf32>
    %convert_element_type3A = arith.truncf %get3A_1 : vector<2048x128xf32> to vector<2048x128xbf16>
    %convert_element_type3A_2 = arith.extf %convert_element_type3A : vector<2048x128xbf16> to vector<2048x128xf32>
    %sub3A = arith.subf %get3A_1, %convert_element_type3A_2 : vector<2048x128xf32>
    %convert_element_type3A_3 = arith.truncf %sub3A : vector<2048x128xf32> to vector<2048x128xbf16>
    %get3A_4 = arith.constant 0 : index
    %get3A_5 = arith.constant 0 : index
    %get3A_6 = vector.load %arg2[%get3A_4, %get3A_5] : memref<128x128xf32, #tpu.memory_space<vmem>>, vector<128x128xf32>
    %convert_element_type3A_7 = arith.truncf %get3A_6 : vector<128x128xf32> to vector<128x128xbf16>
    %convert_element_type3A_8 = arith.extf %convert_element_type3A_7 : vector<128x128xbf16> to vector<128x128xf32>
    %sub3A_9 = arith.subf %get3A_6, %convert_element_type3A_8 : vector<128x128xf32>
    %convert_element_type3A_10 = arith.truncf %sub3A_9 : vector<128x128xf32> to vector<128x128xbf16>
    %dot_general3A = arith.constant dense<0.000000e+00> : vector<2048x128xf32>
    %dot_general3A_11 = tpu.matmul %convert_element_type3A, %convert_element_type3A_7, %dot_general3A {dimension_numbers = #tpu.dot_dimension_numbers<[1], [0], [0], [1], [0, 0, 1, 1], [], []>, transpose_lhs_hint = false} : vector<2048x128xbf16>, vector<128x128xbf16>, vector<2048x128xf32> -> vector<2048x128xf32>
    %dot_general3A_12 = arith.constant dense<0.000000e+00> : vector<2048x128xf32>
    %dot_general3A_13 = tpu.matmul %convert_element_type3A, %convert_element_type3A_10, %dot_general3A_12 {dimension_numbers = #tpu.dot_dimension_numbers<[1], [0], [0], [1], [0, 0, 1, 1], [], []>, transpose_lhs_hint = false} : vector<2048x128xbf16>, vector<128x128xbf16>, vector<2048x128xf32> -> vector<2048x128xf32>
    %add3A = arith.addf %dot_general3A_11, %dot_general3A_13 : vector<2048x128xf32>
    %dot_general3A_14 = arith.constant dense<0.000000e+00> : vector<2048x128xf32>
    %dot_general3A_15 = tpu.matmul %convert_element_type3A_3, %convert_element_type3A_7, %dot_general3A_14 {dimension_numbers = #tpu.dot_dimension_numbers<[1], [0], [0], [1], [0, 0, 1, 1], [], []>, transpose_lhs_hint = false} : vector<2048x128xbf16>, vector<128x128xbf16>, vector<2048x128xf32> -> vector<2048x128xf32>
    %add3A_16 = arith.addf %add3A, %dot_general3A_15 : vector<2048x128xf32>
    %ge3A = arith.constant 0.000000e+00 : f32
    %ge3A_17 = vector.broadcast %ge3A : f32 to vector<2048x128xf32>
    %ge3A_18 = arith.cmpf oge, %add3A_16, %ge3A_17 : vector<2048x128xf32>
    %mul3A = arith.constant 2.000000e-01 : f32
    %mul3A_19 = vector.broadcast %mul3A : f32 to vector<2048x128xf32>
    %mul3A_20 = arith.mulf %mul3A_19, %add3A_16 : vector<2048x128xf32>
    %select_n3A = arith.select %ge3A_18, %add3A_16, %mul3A_20 : vector<2048x128xi1>, vector<2048x128xf32>
    %convert_element_type3A_21 = arith.truncf %select_n3A : vector<2048x128xf32> to vector<2048x128xbf16>
    %convert_element_type3A_22 = arith.extf %convert_element_type3A_21 : vector<2048x128xbf16> to vector<2048x128xf32>
    %sub3A_23 = arith.subf %select_n3A, %convert_element_type3A_22 : vector<2048x128xf32>
    %convert_element_type3A_24 = arith.truncf %sub3A_23 : vector<2048x128xf32> to vector<2048x128xbf16>
    %get3A_25 = arith.constant 0 : index
    %get3A_26 = arith.constant 0 : index
    %get3A_27 = vector.load %arg3[%get3A_25, %get3A_26] : memref<8x128xf32, #tpu.memory_space<vmem>>, vector<8x128xf32>
    %convert_element_type3A_28 = arith.truncf %get3A_27 : vector<8x128xf32> to vector<8x128xbf16>
    %convert_element_type3A_29 = arith.extf %convert_element_type3A_28 : vector<8x128xbf16> to vector<8x128xf32>
    %sub3A_30 = arith.subf %get3A_27, %convert_element_type3A_29 : vector<8x128xf32>
    %convert_element_type3A_31 = arith.truncf %sub3A_30 : vector<8x128xf32> to vector<8x128xbf16>
    %dot_general3A_32 = arith.constant dense<0.000000e+00> : vector<8x2048xf32>
    %dot_general3A_33 = tpu.matmul %convert_element_type3A_28, %convert_element_type3A_21, %dot_general3A_32 {dimension_numbers = #tpu.dot_dimension_numbers<[1], [1], [0], [0], [0, 0, 1, 0], [], []>, transpose_lhs_hint = false} : vector<8x128xbf16>, vector<2048x128xbf16>, vector<8x2048xf32> -> vector<8x2048xf32>
    %dot_general3A_34 = arith.constant dense<0.000000e+00> : vector<8x2048xf32>
    %dot_general3A_35 = tpu.matmul %convert_element_type3A_31, %convert_element_type3A_21, %dot_general3A_34 {dimension_numbers = #tpu.dot_dimension_numbers<[1], [1], [0], [0], [0, 0, 1, 0], [], []>, transpose_lhs_hint = false} : vector<8x128xbf16>, vector<2048x128xbf16>, vector<8x2048xf32> -> vector<8x2048xf32>
    %add3A_36 = arith.addf %dot_general3A_33, %dot_general3A_35 : vector<8x2048xf32>
    %dot_general3A_37 = arith.constant dense<0.000000e+00> : vector<8x2048xf32>
    %dot_general3A_38 = tpu.matmul %convert_element_type3A_28, %convert_element_type3A_24, %dot_general3A_37 {dimension_numbers = #tpu.dot_dimension_numbers<[1], [1], [0], [0], [0, 0, 1, 0], [], []>, transpose_lhs_hint = false} : vector<8x128xbf16>, vector<2048x128xbf16>, vector<8x2048xf32> -> vector<8x2048xf32>
    %add3A_39 = arith.addf %add3A_36, %dot_general3A_38 : vector<8x2048xf32>
    %swap3A = arith.constant 0 : index
    %swap3A_40 = arith.constant 0 : index
    %swap3A_41 = vector.load %arg4[%swap3A, %swap3A_40] : memref<8x2048xf32, #tpu.memory_space<vmem>>, vector<8x2048xf32>
    tpu.vector_store %arg4[%swap3A, %swap3A_40], %add3A_39 {strides = array<i32>} : memref<8x2048xf32, #tpu.memory_space<vmem>>, vector<8x2048xf32>,
    return
  }
  func.func @transform_0(%arg0: i32) -> (i32, i32) {
    %c0_i32 = arith.constant 0 : i32
    %c0_i32_0 = arith.constant 0 : i32
    return %arg0, %c0_i32 : i32, i32
  }
  func.func @transform_1(%arg0: i32) -> (i32, i32) {
    %c0_i32 = arith.constant 0 : i32
    %c0_i32_0 = arith.constant 0 : i32
    %c0_i32_1 = arith.constant 0 : i32
    return %c0_i32, %c0_i32_0 : i32, i32
  }
  func.func @transform_2(%arg0: i32) -> (i32, i32) {
    %c0_i32 = arith.constant 0 : i32
    %c0_i32_0 = arith.constant 0 : i32
    %c0_i32_1 = arith.constant 0 : i32
    return %c0_i32, %c0_i32_0 : i32, i32
  }
  func.func @transform_3(%arg0: i32) -> (i32, i32) {
    %c0_i32 = arith.constant 0 : i32
    %c0_i32_0 = arith.constant 0 : i32
    return %arg0, %c0_i32 : i32, i32
  }
}

module attributes {stable_mosaic.version = 14 : i64} {
  func.func @_out_body(%arg0: i32, %arg1: memref<8x2048xf32, #tpu.memory_space<vmem>>, %arg2: memref<2048x128xf32, #tpu.memory_space<vmem>>, %arg3: memref<128x128xf32, #tpu.memory_space<vmem>>, %arg4: memref<4x128xf32, #tpu.memory_space<vmem>>, %arg5: memref<8x128xf32, #tpu.memory_space<vmem>>) attributes {dimension_semantics = [#tpu.dimension_semantics<arbitrary>], iteration_bounds = array<i64: 49>, scalar_prefetch = 0 : i64, scratch_operands = 1 : i64, tpu.core_type = #tpu.core_type<tc>, window_params = [{transform_indices = @transform_0, window_bounds = array<i64: 8, 2048>}, {transform_indices = @transform_1, window_bounds = array<i64: 2048, 128>}, {pipeline_mode = #tpu.pipeline_mode<synchronous>, transform_indices = @transform_2, window_bounds = array<i64: 128, 128>}, {pipeline_mode = #tpu.pipeline_mode<synchronous>, transform_indices = @transform_3, window_bounds = array<i64: 4, 128>}]} {
    %eq3A = arith.constant 0 : i32
    %eq3A_0 = arith.cmpi eq, %arg0, %eq3A : i32
    %convert_element_type3A = arith.extui %eq3A_0 : i1 to i32
    %cond3A = arith.constant 0 : i32
    %cond3A_1 = arith.cmpi ne, %convert_element_type3A, %cond3A : i32
    scf.if %cond3A_1 {
      %broadcast_in_dim3A_44 = arith.constant 0.000000e+00 : f32
      %broadcast_in_dim3A_45 = vector.broadcast %broadcast_in_dim3A_44 : f32 to vector<8x128xf32>
      %swap3A_46 = arith.constant 0 : index
      %swap3A_47 = arith.constant 0 : index
      %swap3A_48 = vector.load %arg5[%swap3A_46, %swap3A_47] : memref<8x128xf32, #tpu.memory_space<vmem>>, vector<8x128xf32>
      tpu.vector_store %arg5[%swap3A_46, %swap3A_47], %broadcast_in_dim3A_45 {strides = array<i32>} : memref<8x128xf32, #tpu.memory_space<vmem>>, vector<8x128xf32>,
    } else {
    }
    %mul3A = arith.constant 2048 : i32
    %mul3A_2 = arith.muli %arg0, %mul3A : i32
    %sub3A = arith.constant 100000 : i32
    %sub3A_3 = arith.subi %sub3A, %mul3A_2 : i32
    %get3A = arith.constant 0 : index
    %get3A_4 = arith.constant 0 : index
    %get3A_5 = vector.load %arg1[%get3A, %get3A_4] : memref<8x2048xf32, #tpu.memory_space<vmem>>, vector<8x2048xf32>
    %get3A_6 = arith.constant 0 : index
    %get3A_7 = arith.constant 0 : index
    %get3A_8 = vector.load %arg2[%get3A_6, %get3A_7] : memref<2048x128xf32, #tpu.memory_space<vmem>>, vector<2048x128xf32>
    %iota3A = tpu.iota {dimensions = array<i32: 1>} : vector<1x2048xi32>
    %lt3A = vector.broadcast %sub3A_3 : i32 to vector<1x2048xi32>
    %lt3A_9 = arith.cmpi slt, %iota3A, %lt3A : vector<1x2048xi32>
    %jit3A = arith.constant 0.000000e+00 : f32
    %broadcast_in_dim3A = vector.shape_cast %lt3A_9 : vector<1x2048xi1> to vector<1x2048xi1>
    %broadcast_in_dim3A_10 = vector.broadcast %broadcast_in_dim3A : vector<1x2048xi1> to vector<8x2048xi1>
    %broadcast_in_dim3A_11 = vector.broadcast %jit3A : f32 to vector<8x2048xf32>
    %select_n3A = arith.select %broadcast_in_dim3A_10, %get3A_5, %broadcast_in_dim3A_11 : vector<8x2048xi1>, vector<8x2048xf32>
    %reshape3A = vector.shape_cast %iota3A : vector<1x2048xi32> to vector<2048x1xi32>
    %lt3A_12 = vector.broadcast %sub3A_3 : i32 to vector<2048x1xi32>
    %lt3A_13 = arith.cmpi slt, %reshape3A, %lt3A_12 : vector<2048x1xi32>
    %jit3A_14 = arith.constant 0.000000e+00 : f32
    %broadcast_in_dim3A_15 = vector.shape_cast %lt3A_13 : vector<2048x1xi1> to vector<2048x1xi1>
    %broadcast_in_dim3A_16 = vector.broadcast %broadcast_in_dim3A_15 : vector<2048x1xi1> to vector<2048x128xi1>
    %broadcast_in_dim3A_17 = vector.broadcast %jit3A_14 : f32 to vector<2048x128xf32>
    %select_n3A_18 = arith.select %broadcast_in_dim3A_16, %get3A_8, %broadcast_in_dim3A_17 : vector<2048x128xi1>, vector<2048x128xf32>
    %convert_element_type3A_19 = arith.truncf %select_n3A : vector<8x2048xf32> to vector<8x2048xbf16>
    %convert_element_type3A_20 = arith.extf %convert_element_type3A_19 : vector<8x2048xbf16> to vector<8x2048xf32>
    %sub3A_21 = arith.subf %select_n3A, %convert_element_type3A_20 : vector<8x2048xf32>
    %convert_element_type3A_22 = arith.truncf %sub3A_21 : vector<8x2048xf32> to vector<8x2048xbf16>
    %convert_element_type3A_23 = arith.truncf %select_n3A_18 : vector<2048x128xf32> to vector<2048x128xbf16>
    %convert_element_type3A_24 = arith.extf %convert_element_type3A_23 : vector<2048x128xbf16> to vector<2048x128xf32>
    %sub3A_25 = arith.subf %select_n3A_18, %convert_element_type3A_24 : vector<2048x128xf32>
    %convert_element_type3A_26 = arith.truncf %sub3A_25 : vector<2048x128xf32> to vector<2048x128xbf16>
    %get3A_27 = arith.constant 0 : index
    %get3A_28 = arith.constant 0 : index
    %get3A_29 = vector.load %arg5[%get3A_27, %get3A_28] : memref<8x128xf32, #tpu.memory_space<vmem>>, vector<8x128xf32>
    %dot_general3A = arith.constant dense<0.000000e+00> : vector<8x128xf32>
    %dot_general3A_30 = tpu.matmul %convert_element_type3A_19, %convert_element_type3A_23, %dot_general3A {dimension_numbers = #tpu.dot_dimension_numbers<[1], [0], [0], [1], [0, 0, 1, 1], [], []>, transpose_lhs_hint = false} : vector<8x2048xbf16>, vector<2048x128xbf16>, vector<8x128xf32> -> vector<8x128xf32>
    %dot_general3A_31 = arith.constant dense<0.000000e+00> : vector<8x128xf32>
    %dot_general3A_32 = tpu.matmul %convert_element_type3A_19, %convert_element_type3A_26, %dot_general3A_31 {dimension_numbers = #tpu.dot_dimension_numbers<[1], [0], [0], [1], [0, 0, 1, 1], [], []>, transpose_lhs_hint = false} : vector<8x2048xbf16>, vector<2048x128xbf16>, vector<8x128xf32> -> vector<8x128xf32>
    %add3A = arith.addf %dot_general3A_30, %dot_general3A_32 : vector<8x128xf32>
    %dot_general3A_33 = arith.constant dense<0.000000e+00> : vector<8x128xf32>
    %dot_general3A_34 = tpu.matmul %convert_element_type3A_22, %convert_element_type3A_23, %dot_general3A_33 {dimension_numbers = #tpu.dot_dimension_numbers<[1], [0], [0], [1], [0, 0, 1, 1], [], []>, transpose_lhs_hint = false} : vector<8x2048xbf16>, vector<2048x128xbf16>, vector<8x128xf32> -> vector<8x128xf32>
    %add3A_35 = arith.addf %add3A, %dot_general3A_34 : vector<8x128xf32>
    %add3A_36 = arith.addf %get3A_29, %add3A_35 : vector<8x128xf32>
    %swap3A = arith.constant 0 : index
    %swap3A_37 = arith.constant 0 : index
    %swap3A_38 = vector.load %arg5[%swap3A, %swap3A_37] : memref<8x128xf32, #tpu.memory_space<vmem>>, vector<8x128xf32>
    tpu.vector_store %arg5[%swap3A, %swap3A_37], %add3A_36 {strides = array<i32>} : memref<8x128xf32, #tpu.memory_space<vmem>>, vector<8x128xf32>,
    %eq3A_39 = arith.constant 48 : i32
    %eq3A_40 = arith.cmpi eq, %arg0, %eq3A_39 : i32
    %convert_element_type3A_41 = arith.extui %eq3A_40 : i1 to i32
    %cond3A_42 = arith.constant 0 : i32
    %cond3A_43 = arith.cmpi ne, %convert_element_type3A_41, %cond3A_42 : i32
    scf.if %cond3A_43 {
      %get3A_44 = arith.constant 0 : index
      %get3A_45 = arith.constant 0 : index
      %get3A_46 = vector.load %arg5[%get3A_44, %get3A_45] : memref<8x128xf32, #tpu.memory_space<vmem>>, vector<8x128xf32>
      %slice3A = vector.extract_strided_slice %get3A_46 {offsets = [0, 0], sizes = [4, 128], strides = [1, 1]} : vector<8x128xf32> to vector<4x128xf32>
      %slice3A_47 = vector.extract_strided_slice %get3A_46 {offsets = [4, 0], sizes = [4, 128], strides = [1, 1]} : vector<8x128xf32> to vector<4x128xf32>
      %add3A_48 = arith.addf %slice3A, %slice3A_47 : vector<4x128xf32>
      %get3A_49 = arith.constant 0 : index
      %get3A_50 = arith.constant 0 : index
      %get3A_51 = vector.load %arg3[%get3A_49, %get3A_50] : memref<128x128xf32, #tpu.memory_space<vmem>>, vector<128x128xf32>
      %dot_general3A_52 = arith.constant dense<0.000000e+00> : vector<4x128xf32>
      %dot_general3A_53 = tpu.matmul %add3A_48, %get3A_51, %dot_general3A_52 {dimension_numbers = #tpu.dot_dimension_numbers<[1], [0], [0], [1], [0, 0, 1, 1], [], []>, precision = #tpu.contract_precision<fp32>, transpose_lhs_hint = false} : vector<4x128xf32>, vector<128x128xf32>, vector<4x128xf32> -> vector<4x128xf32>
      %swap3A_54 = arith.constant 0 : index
      %swap3A_55 = arith.constant 0 : index
      %swap3A_56 = vector.load %arg4[%swap3A_54, %swap3A_55] : memref<4x128xf32, #tpu.memory_space<vmem>>, vector<4x128xf32>
      tpu.vector_store %arg4[%swap3A_54, %swap3A_55], %dot_general3A_53 {strides = array<i32>} : memref<4x128xf32, #tpu.memory_space<vmem>>, vector<4x128xf32>,
    } else {
    }
    return
  }
  func.func @transform_0(%arg0: i32) -> (i32, i32) {
    %c0_i32 = arith.constant 0 : i32
    %c0_i32_0 = arith.constant 0 : i32
    return %c0_i32, %arg0 : i32, i32
  }
  func.func @transform_1(%arg0: i32) -> (i32, i32) {
    %c0_i32 = arith.constant 0 : i32
    %c0_i32_0 = arith.constant 0 : i32
    return %arg0, %c0_i32 : i32, i32
  }
  func.func @transform_2(%arg0: i32) -> (i32, i32) {
    %c0_i32 = arith.constant 0 : i32
    %c0_i32_0 = arith.constant 0 : i32
    %c0_i32_1 = arith.constant 0 : i32
    return %c0_i32, %c0_i32_0 : i32, i32
  }
  func.func @transform_3(%arg0: i32) -> (i32, i32) {
    %c0_i32 = arith.constant 0 : i32
    %c0_i32_0 = arith.constant 0 : i32
    %c0_i32_1 = arith.constant 0 : i32
    return %c0_i32, %c0_i32_0 : i32, i32
  }
}

</mosaic_0001>

<sc_bundles>
// kernel: kernel.5.cloned.1.call-start
scs
__scs_entry_jumppad:
0x0: {  	(pc) =	sbr.rel $0x88, $3  }
0x1: {  	(tag) =	ssettag $0x0;
	lr =	simm.s32 $0x1  }
0x2: {  	[smem:$0x3F9D] =	sst lr;
	_ =	strace $0xD0000000  }
0x3: {  	_ = 	snop  }
0x4: {  	_ = 	snop  }
0x5: {  	_ = 	snop  }
0x6: {  	_ = 	snop  }
0x7: {  	_ = 	snop  }
__scs_overlays_trampoline_lowered:
0x8: {  	[smem:$0x3FAC] =	sst s0  }
0x9: {  	[smem:$0x3FAD] =	sst s1  }
0xa: {  	[smem:$0x3FAE] =	sst s2  }
0xb: {  	[smem:$0x3FAF] =	sst s3  }
0xc: {  	[smem:$0x3FB0] =	sst s4  }
0xd: {  	[smem:$0x3FB1] =	sst s5  }
0xe: {  	[smem:$0x3FB2] =	sst s6  }
0xf: {  	[smem:$0x3FB3] =	sst s7  }
0x10: {  	[smem:$0x3FB4] =	sst s8  }
0x11: {  	[smem:$0x3FB5] =	sst s9;
	s0 =	simm.s32 @!p0 $0x0  }
0x12: {  	s1 =	sld [smem:$0x3F9B];
	s0 =	simm.s32 @p0 $0x1  }
0x13: {  	[smem:$0x3FB6] =	sst s0;
	s0 =	simm.s32 @!p1 $0x0  }
0x14: {  	s2 =	sld [smem:$0x3F9A];
	s0 =	simm.s32 @p1 $0x1  }
0x15: {  	[smem:$0x3FB7] =	sst s0;
	s0 =	simm.s32 @!p2 $0x0  }
0x16: {  	s3 =	sld [smem:$0x3FDB];
	s0 =	simm.s32 @p2 $0x1  }
0x17: {  	s4 =	simm.s32 $0x1BF5;
	[smem:$0x3FB9] =	sst s0  }
0x18: {  	s0 =	sld [smem:$0x3F9C];
	_ =	swait.ge [sflag:s4], $0x0  }
0x19: {  	s7 =	sld [smem:$0x3F9D]  }
0x1a: {  	s8 =	sadd.s32 $0xFFFFE003, lr  }
0x1b: {  	s9 =	sadd.s32 $0xFFFFFEF7, lr;
	s5 =	simm.s32 $0xFFFFFFFF;
	p2 =	slt.u32 s8, $0xFFFFF086  }
0x1c: {  	p1 =	slt.u32 s9, $0xF7A;
	s5 =	simm.s32 @!p2 $0x0  }
0x1d: {  	s5 =	simm.s32 @p1 $0x1;
	p0 =	seq.s32 s7, s2  }
0x1e: {  	s7 =	smul.u32 @!p0 $0xF7A, s2;
	p2 =	seq.s32 @!p0 s5, $0x0  }
0x1f: {  	s9 =	smul.u32 $0xF7A, s1;
	s8 =	simm.s32 @!p0 $0x1BF5;
	p2 =	por !p2, p0  }
0x20: {  	[sflag:s8] =	ssyncset.s32 @!p0 $0xFFFFF086;
	s6 =	sadd.s32 @!p0 s3, s7;
	s7 =	simm.s32 @!p0 $0x108  }
0x21: {  	s3 =	sadd.s32 s3, s9;
	s6 =	sadd.s32 @!p0 $0x88, s6;
	s7 =	simm.s32 @p2 $0x1082  }
0x22: {  	[simem:s7], [sflag:s8] =	dma.local @!p0 [hbm:s6], $0xF7A  }
0x23: {  	s9 =	sor.u32 $0xD0000000, s2;
	s6 =	simm.s32 $0x108;
	_ =	swait.ge @!p0 [sflag:s8], $0x0  }
0x24: {  	s3 =	sadd.s32 $0x88, s3;
	s6 =	simm.s32 @!p1 $0x1082;
	[sflag:s4] =	ssyncset.s32 $0xFFFFF086  }
0x25: {  	[simem:s6], [sflag:s4] =	dma.local [hbm:s3], $0xF7A  }
0x26: {  	[smem:$0x3F9D] =	sst s1;
	(tag) =	ssettag s2;
	_ =	strace s9  }
0x27: {  	s1 =	sld [smem:$0x3FAD]  }
0x28: {  	s2 =	sld [smem:$0x3FAE]  }
0x29: {  	s4 =	sld [smem:$0x3FB0]  }
0x2a: {  	p0 =	seq.s32 s5, $0x0;
	s5 =	sld [smem:$0x3FB1]  }
0x2b: {  	s6 =	sld [smem:$0x3FB2]  }
0x2c: {  	s7 =	sld [smem:$0x3FB3]  }
0x2d: {  	s3 =	simm.s32 $0x108;
	s8 =	sld [smem:$0x3FB4]  }
0x2e: {  	s3 =	simm.s32 @!p0 $0x1082;
	s9 =	sld [smem:$0x3FB5]  }
0x2f: {  	lr =	sadd.s32 s0, s3;
	s0 =	sld [smem:$0x3FAC]  }
0x30: {  	s3 =	sld [smem:$0x3FAF]  }
0x31: {  	[smem:$0x3FB8] =	sst s10  }
0x32: {  	s10 =	sld [smem:$0x3FB6];
	_ =	sdelay $0x3  }
0x33: {  	p0 =	seq.s32 s10, $0x1;
	s10 =	sld [smem:$0x3FB8];
	_ =	sdelay $0x3  }
0x34: {  	[smem:$0x3FB8] =	sst s10  }
0x35: {  	s10 =	sld [smem:$0x3FB7];
	_ =	sdelay $0x3  }
0x36: {  	p1 =	seq.s32 s10, $0x1;
	s10 =	sld [smem:$0x3FB8];
	_ =	sdelay $0x3  }
0x37: {  	[smem:$0x3FB8] =	sst s10  }
0x38: {  	s10 =	sld [smem:$0x3FB9]  }
0x39: {  	_ = 	snop;
	(pc) =	sbr.ind lr, $3  }
0x3a: {  	_ = 	snop  }
0x3b: {  	_ = 	snop  }
0x3c: {  	p2 =	seq.s32 s10, $0x1;
	s10 =	sld [smem:$0x3FB8]  }
0x3d: {  	_ =	shalt  }
0x3e: {  	_ =	shalt  }
0x3f: {  	_ =	shalt  }
0x40: {  	_ =	shalt  }
0x41: {  	_ =	shalt  }
0x42: {  	_ =	shalt  }
0x43: {  	_ =	shalt  }
0x44: {  	_ =	shalt  }
0x45: {  	_ =	shalt  }
0x46: {  	_ =	shalt  }
0x47: {  	_ =	shalt  }
0x48: {  	_ =	shalt  }
0x49: {  	_ =	shalt  }
0x4a: {  	_ =	shalt  }
0x4b: {  	_ =	shalt  }
0x4c: {  	_ =	shalt  }
0x4d: {  	_ =	shalt  }
0x4e: {  	_ =	shalt  }
0x4f: {  	_ =	shalt  }
0x50: {  	_ =	shalt  }
0x51: {  	_ =	shalt  }
0x52: {  	_ =	shalt  }
0x53: {  	_ =	shalt  }
0x54: {  	_ =	shalt  }
0x55: {  	_ =	shalt  }
0x56: {  	_ =	shalt  }
0x57: {  	_ =	shalt  }
0x58: {  	_ =	shalt  }
0x59: {  	_ =	shalt  }
0x5a: {  	_ =	shalt  }
0x5b: {  	_ =	shalt  }
0x5c: {  	_ =	shalt  }
0x5d: {  	_ =	shalt  }
0x5e: {  	_ =	shalt  }
0x5f: {  	_ =	shalt  }
0x60: {  	_ =	shalt  }
0x61: {  	_ =	shalt  }
0x62: {  	_ =	shalt  }
0x63: {  	_ =	shalt  }
0x64: {  	_ =	shalt  }
0x65: {  	_ =	shalt  }
0x66: {  	_ =	shalt  }
0x67: {  	_ =	shalt  }
0x68: {  	_ =	shalt  }
0x69: {  	_ =	shalt  }
0x6a: {  	_ =	shalt  }
0x6b: {  	_ =	shalt  }
0x6c: {  	_ =	shalt  }
0x6d: {  	_ =	shalt  }
0x6e: {  	_ =	shalt  }
0x6f: {  	_ =	shalt  }
0x70: {  	_ =	shalt  }
0x71: {  	_ =	shalt  }
0x72: {  	_ =	shalt  }
0x73: {  	_ =	shalt  }
0x74: {  	_ =	shalt  }
0x75: {  	_ =	shalt  }
0x76: {  	_ =	shalt  }
0x77: {  	_ =	shalt  }
0x78: {  	_ =	shalt  }
0x79: {  	_ =	shalt  }
0x7a: {  	_ =	shalt  }
0x7b: {  	_ =	shalt  }
0x7c: {  	_ =	shalt  }
0x7d: {  	_ =	shalt  }
0x7e: {  	_ =	shalt  }
0x7f: {  	_ =	shalt  }
0x80: {  	_ =	shalt  }
0x81: {  	_ =	shalt  }
0x82: {  	_ =	shalt  }
0x83: {  	_ =	shalt  }
0x84: {  	_ =	shalt  }
0x85: {  	_ =	shalt  }
0x86: {  	_ =	shalt  }
0x87: {  	_ =	shalt  }
.Lfunc_end0:
.L_simem_size_0:
called_computation_lowered:
.L_overlay_start_0:
0x88: {  	s2 =	sld [smem:$0x3FD9]  }
0x89: {  	s3 =	sld [smem:$0x3FFE];
	_ =	sdelay $0x1  }
0x8a: {  	s1 =	srdreg.scid  }
0x8b: {  	s0 =	sand.u32 $0x1, s1  }
0x8c: {  	s16 =	sshll.u32 s0, $0xA;
	s2 =	sadd.s32 s3, s2  }
0x8d: {  	s2 =	sadd.s32 s2, s16  }
0x8e: {  	[smem:$0x3FC4] =	sst s2  }
0x8f: {  	_ = 	snop  }
0x90: {  	(tm) =	ssettm $0x1  }
0x91: {  	s17 =	sld [smem:$0x3FFB];
	_ =	sdelay $0x3  }
0x92: {  	_ =	strace s17  }
0x93: {  	s2 =	sld [smem:$0x3FFC];
	_ =	sdelay $0x3  }
0x94: {  	_ =	strace s2  }
0x95: {  	s2 =	sld [smem:$0x3FFD];
	_ =	sdelay $0x3  }
0x96: {  	_ =	strace s2  }
0x97: {  	_ =	strace $0x8FFFFFFF  }
0x98: {  	s18 =	sld [smem:$0x3FDB];
	_ =	sdelay $0x1  }
0x99: {  	s19 =	simm.s32 $_scs_section_size  }
0x9a: {  	s4 =	simm.s32 $_size__tile_overlayer_lowered;
	s5 =	simm.s32 $_tile_overlayer_lowered  }
0x9b: {  	s22 =	simm.s32 $0x1BFF;
	s21 =	sshll.u32 s5, $0x1;
	s2 =	sadd.s32 s19, s18  }
0x9c: {  	s6 =	simm.s32 $0x0;
	s20 =	sshll.u32 s4, $0x1;
	s4 =	sadd.s32 s21, s2  }
0x9d: {  	[timem:s6], [sflag:s22] =	dma.local [hbm:s4], s20  }
0x9e: {  	_ =	swait.ge [sflag:s22], s20  }
0x9f: {  	s3 =	ssub.s32 $0x0, s20;
	[sflag:s22] =	ssyncset.done $0x0  }
0xa0: {  	[sflag:s22] =	ssyncadd.s32 s3;
	_ =	sdelay $0x1  }
0xa1: {  	s23 =	simm.s32 $0x1B8B  }
0xa2: {  	_ =	swait.ge [sflag:s23], $0x1  }
0xa3: {  	[sflag:s23] =	ssyncset.done $0x0  }
0xa4: {  	s25 =	simm.s32 $0x1B8E;
	s24 =	sld [smem:$0x3FFE];
	[sflag:s23] =	ssyncadd.s32 $0xFFFFFFFF  }
0xa5: {  	s26 =	simm.s32 $execute0_lowered;
	[smem:$0x3FD2] =	sst s25  }
0xa6: {  	s4 =	sshll.u32 s26, $0x1;
	_ =	strace $0x80000046;
	[dreg:$0x1] =	wrdreg $0xFFFFFFFF  }
0xa7: {  	s28 =	simm.s32 $_size_execute0_lowered;
	s2 =	sadd.s32 s2, s4;
	[dreg:$0x0] =	wrdreg $0x0  }
0xa8: {  	s4 =	sshll.u32 s28, $0x1;
	[dreg:$0x2] =	wrdreg s2  }
0xa9: {  	[dreg:$0x3] =	wrdreg s4  }
0xaa: {  	[dreg:$0x4] =	wrdreg $0xC0  }
0xab: {  	_ =	task [dreg:s6], $0x5FFFF  }
0xac: {  	[dreg:$0x1] =	wrdreg $0xFFFFFFFF  }
0xad: {  	[dreg:$0x0] =	wrdreg $0x60  }
0xae: {  	[dreg:$0x2] =	wrdreg s24  }
0xaf: {  	[dreg:$0x3] =	wrdreg $0xCA000  }
0xb0: {  	[dreg:$0x4] =	wrdreg $0x12BA80  }
0xb1: {  	[dreg:$0x5] =	wrdreg $0x9  }
0xb2: {  	_ =	task.clear_ibuf [dreg:s6], $0x6FFFF;
	_ =	strace $0x90000046  }
0xb3: {  	s29 =	simm.s32 $0x9;
	_ =	strace $0x80000048  }
0xb4: {  	_ =	swait.ge [sflag:s29], $0x1  }
0xb5: {  	[sflag:s29] =	ssyncadd.s32 $0xFFFFFFFF  }
0xb6: {  	_ =	strace $0x90000048  }
0xb7: {  	_ =	sfence  }
0xb8: {  	s30 =	sld [smem:$0x0];
	_ =	sdelay $0x2  }
0xb9: {  	s31 =	sshll.u32 s1, $0xD;
	s1 =	sshrl.u32 s1, $0x2  }
0xba: {  	s3 =	sand.u32 $0x4000, s31;
	s1 =	sadd.s32 s1, s30  }
0xbb: {  	s0 =	sor.u32 s3, s0;
	s1 =	sshll.u32 s1, $0x11  }
0xbc: {  	s0 =	sor.u32 s1, s0  }
0xbd: {  	s0 =	sadd.s32 $0x8F2B, s0  }
0xbe: {  	[sflag:s0] =	ssyncadd.remote.s32 $0x1  }
0xbf: {  	_ =	sfence.sel $0xFFFF  }
0xc0: {  	[dreg:$0x0] =	wrdreg $0xFFFFFFFF;
	(pc) =	sbr.abs _section_cstart, $3  }
0xc1: {  	[dreg:$0x1] =	wrdreg $0xFFFFFFFF  }
0xc2: {  	_ =	task.clear_ibuf [dreg:s6], $0x2FFFF;
	_ =	strace $0x9FFFFFFF  }
0xc3: {  	(tm) =	ssettm $0x7FFFFFFF  }
tec
execute0_lowered:
.L_overlay_start_1:
0x0: {  	(tag) =	ssettag $0x1  }
0x1: {  	s0 =	rddreg [dreg:$0x0]  }
0x2: {  	s2 =	rddreg [dreg:$0x1]  }
0x3: {  	s3 =	rddreg [dreg:$0x2]  }
0x4: {  	s19 =	stileid.u32;
	s5 =	srdreg.scid;
	s4 =	simm.s32 $0x0  }
0x5: {  	s28 =	simm.s32 $0x5780;
	s29 =	simm.s32 $0x0;
	s1 =	smul.u32 $0x1880, s19  }
0x6: {  	s15 =	sand.u32 $0x1, s5;
	s6 =	smul.u32 $0x61A8, s19;
	[smem:$0x7FF] =	sst s4  }
0x7: {  	s16 =	sadd.s32 $0x3C00, s0;
	s23 =	sshll.u32 s19, $0x7;
	s31 =	smul.u32 $0xC80, s19  }
0x8: {  	s5 =	sshll.u32 s15, $0x4;
	s7 =	smul.u32 $0x61A80, s15;
	_ =	strace $0x80000047  }
0x9: {  	s22 =	ssub.s32 $0x2, s15;
	s12 =	sand.u32 $0x380, s23;
	s23 =	simm.s32 $0x1  }
0xa: {  	s8 =	sshrl.u32 s1, $0x3;
	s9 =	sor.u32 s19, s5;
	s11 =	sshrl.u32 s22, $0x1  }
0xb: {  	s8 =	sadd.s32 s8, s0;
	s5 =	sshll.u32 s9, $0x9;
	s7 =	sadd.s32 s6, s7  }
0xc: {  	s21 =	sshrl.u32 s9, $0x3;
	s6 =	sadd.s32 s6, s2;
	s20 =	ssub.s32 s22, s11  }
0xd: {  	s9 =	sadd.s32 s1, s3;
	s22 =	simm.s32 $0x6600;
	s17 =	sadd.s32 s5, s0  }
0xe: {  	s7 =	sshrl.u32 s7, $0x3;
	s5 =	sadd.s32 $0x20400, s0;
	s10 =	smul.u32 $0x6400, s21  }
0xf: {  	s8 =	sadd.s32 $0xA00, s8;
	s21 =	smul.u32 $0xC800, s15;
	s20 =	smax.u32 s20, $0x1  }
0x10: {  	s0 =	sadd.s32 s7, s0;
	s7 =	sadd.s32 $0x3200, s6;
	s11 =	sadd.s32 $0x10400, s17  }
0x11: {  	s13 =	sadd.s32 $0x14400, s17;
	s15 =	sadd.s32 $0x18400, s17;
	s17 =	sadd.s32 $0x1C400, s17  }
0x12: {  	s14 =	sor.u32 s12, s10;
	s19 =	sadd.s32 $0x21240, s0;
	s21 =	sadd.s32 s31, s21  }
0x13: {  	s10 =	sshrl.u32 s14, $0x3;
	s24 =	sadd.s32 $0x19000, s14;
	s26 =	sadd.s32 $0x32000, s14  }
0x14: {  	s18 =	sadd.s32 $0x4B000, s14;
	s10 =	sadd.s32 s16, s10;
	s25 =	sshrl.u32 s24, $0x3  }
0x15: {  	s1 =	sshrl.u32 s26, $0x3;
	s30 =	sshrl.u32 s18, $0x3;
	s18 =	sadd.s32 $0x20C00, s0  }
0x16: {  	v0 =	vlaneseq.u32;
	s24 =	simm.s32 $0x9800;
	s26 =	simm.s32 $0x400;
	s12 =	sadd.s32 s16, s25  }
0x17: {  	v1 =	vor.u32 $0xC80, v0;
	v2 =	vor.u32 $0x1900, v0;
	v3 =	vor.u32 $0x2580, v0;
	s14 =	sadd.s32 s16, s1;
	s16 =	sadd.s32 s16, s30;
	s25 =	simm.s32 $0x80  }
.LBB2_1:
0x18: {  	[tilespmem:s22], [sflag:$0x1] =	stream.linear.gather [hbm4b:s5+s4], $0x3200, $0x38;
	[tilespmem:$0x14428] =	vst v63  }
0x19: {  	_ =	swait.ge [sflag:s23], $0x3200  }
0x1a: {  	[sflag:s23] =	ssyncset.done $0x0  }
0x1b: {  	[sflag:s23] =	ssyncadd.s32 $0xFFFFCE00  }
0x1c: {  	[spmem:s6] =	stream.linear.scatter [tilespmem:s22], [sflag:$0x1], $0x3200, $0x38;
	[tilespmem:$0x14428] =	vst v63  }
0x1d: {  	_ =	swait.ge [sflag:s23], $0x3200  }
0x1e: {  	[sflag:s23] =	ssyncset.done $0x0  }
0x1f: {  	[sflag:s23] =	ssyncadd.s32 $0xFFFFCE00  }
0x20: {  	[spmem:s7] =	stream.linear.scatter [tilespmem:s22], [sflag:$0x1], $0x2FA8, $0x38;
	[tilespmem:$0x14428] =	vst v63  }
0x21: {  	_ =	swait.ge [sflag:s23], $0x2FA8  }
0x22: {  	[sflag:s23] =	ssyncset.done $0x0  }
0x23: {  	[sflag:s23] =	ssyncadd.s32 $0xFFFFD058  }
0x24: {  	[tilespmem:s24], [sflag:$0x1] =	stream.linear.gather [hbm4b:s8+s4], $0x1880, $0x38;
	[tilespmem:$0x14428] =	vst v63  }
0x25: {  	_ =	swait.ge [sflag:s23], $0x1880  }
0x26: {  	[sflag:s23] =	ssyncset.done $0x0  }
0x27: {  	[sflag:s23] =	ssyncadd.s32 $0xFFFFE780  }
0x28: {  	[spmem:s9] =	stream.linear.scatter [tilespmem:s24], [sflag:$0x1], $0x1880, $0x38;
	[tilespmem:$0x14428] =	vst v63  }
0x29: {  	_ =	swait.ge [sflag:s23], $0x1880  }
0x2a: {  	[sflag:s23] =	ssyncset.done $0x0  }
0x2b: {  	[sflag:s23] =	ssyncadd.s32 $0xFFFFE780  }
0x2c: {  	[tilespmem:s4], [sflag:$0x1] =	stream.strided.gather [hbm4b:s10+s25], $0xC80, s26, s25, $0x38;
	[tilespmem:$0x14428] =	vst v63  }
0x2d: {  	_ =	swait.ge [sflag:s23], $0xC80  }
0x2e: {  	[sflag:s23] =	ssyncset.done $0x0  }
0x2f: {  	s0 =	simm.s32 $0x3200;
	[sflag:s23] =	ssyncadd.s32 $0xFFFFF380  }
0x30: {  	[tilespmem:s0], [sflag:$0x1] =	stream.linear.gather [hbm4b:s11+s4], $0xC80, $0x38;
	[tilespmem:$0x14428] =	vst v63  }
0x31: {  	_ =	swait.ge [sflag:s23], $0xC80  }
0x32: {  	[sflag:s23] =	ssyncset.done $0x0  }
0x33: {  	s1 =	simm.s32 $0xC80;
	[sflag:s23] =	ssyncadd.s32 $0xFFFFF380  }
0x34: {  	[tilespmem:s1], [sflag:$0x1] =	stream.strided.gather [hbm4b:s12+s25], $0xC80, s26, s25, $0x38;
	[tilespmem:$0x14428] =	vst v63  }
0x35: {  	_ =	swait.ge [sflag:s23], $0xC80  }
0x36: {  	[sflag:s23] =	ssyncset.done $0x0  }
0x37: {  	s30 =	simm.s32 $0x3E80;
	[sflag:s23] =	ssyncadd.s32 $0xFFFFF380  }
0x38: {  	[tilespmem:s30], [sflag:$0x1] =	stream.linear.gather [hbm4b:s13+s4], $0xC80, $0x38;
	[tilespmem:$0x14428] =	vst v63  }
0x39: {  	_ =	swait.ge [sflag:s23], $0xC80  }
0x3a: {  	[sflag:s23] =	ssyncset.done $0x0  }
0x3b: {  	s31 =	simm.s32 $0x1900;
	[sflag:s23] =	ssyncadd.s32 $0xFFFFF380  }
0x3c: {  	[tilespmem:s31], [sflag:$0x1] =	stream.strided.gather [hbm4b:s14+s25], $0xC80, s26, s25, $0x38;
	[tilespmem:$0x14428] =	vst v63  }
0x3d: {  	_ =	swait.ge [sflag:s23], $0xC80  }
0x3e: {  	[sflag:s23] =	ssyncset.done $0x0  }
0x3f: {  	s1 =	simm.s32 $0x4B00;
	[sflag:s23] =	ssyncadd.s32 $0xFFFFF380  }
0x40: {  	[tilespmem:s1], [sflag:$0x1] =	stream.linear.gather [hbm4b:s15+s4], $0xC80, $0x38;
	[tilespmem:$0x14428] =	vst v63  }
0x41: {  	_ =	swait.ge [sflag:s23], $0xC80  }
0x42: {  	[sflag:s23] =	ssyncset.done $0x0  }
0x43: {  	s30 =	simm.s32 $0x2580;
	[sflag:s23] =	ssyncadd.s32 $0xFFFFF380  }
0x44: {  	[tilespmem:s30], [sflag:$0x1] =	stream.strided.gather [hbm4b:s16+s25], $0xC80, s26, s25, $0x38;
	[tilespmem:$0x14428] =	vst v63  }
0x45: {  	_ =	swait.ge [sflag:s23], $0xC80  }
0x46: {  	[sflag:s23] =	ssyncset.done $0x0  }
0x47: {  	[sflag:s23] =	ssyncadd.s32 $0xFFFFF380  }
0x48: {  	[tilespmem:s28], [sflag:$0x1] =	stream.linear.gather [hbm4b:s17+s4], $0xC80, $0x38;
	[tilespmem:$0x14428] =	vst v63  }
0x49: {  	_ =	swait.ge [sflag:s23], $0xC80  }
0x4a: {  	[sflag:s23] =	ssyncset.done $0x0  }
0x4b: {  	[sflag:s23] =	ssyncadd.s32 $0xFFFFF380  }
0x4c: {  	s31 =	simm.s32 $0x0;
	s30 =	simm.s32 $0x9800;
	[bflag:$0x0] =	sbarrier.arrive $0xFFFF  }
0x4d: {  	[tilespmem:s30], [sflag:$0x1] =	stream.indirect.gather [spmem:s3], $0x1, s31, s25, $0xb8;
	[tilespmem:$0x14428] =	vst v63  }
0x4e: {  	s0 =	simm.s32 $0x200;
	_ =	swait.ge [sflag:s23], $0x80  }
.LBB2_2:
0x4f: {  	s30 =	sshra.s32 s0, $0x2;
	[sflag:s23] =	ssyncset.done $0x0;
	p0 =	sne.s32 s0, $0xC600  }
.Ltmp0:
0x50: {  	s31 =	sadd.s32 $0x9800, s30;
	[sflag:s23] =	ssyncadd.s32 $0xFFFFFF80;
	(pc) =	sbr.rel @p0 .LBB2_2-.Ltmp0, $3  }
0x51: {  	[tilespmem:s31], [sflag:$0x1] =	stream.indirect.gather [spmem:s3], $0x1, s30, s25, $0xb8;
	[tilespmem:$0x14428] =	vst v63  }
0x52: {  	s0 =	sadd.s32 $0x200, s0;
	_ =	sdelay $0x1  }
0x53: {  	_ =	swait.ge [sflag:s23], $0x80  }
0x54: {  	s0 =	simm.s32 $0x0  }
0x55: {  	v4 =	vadd.s32 s0, v3  }
0x56: {  	v9 =	vor.u32 s0, v0  }
0x57: {  	v6 =	vadd.s32 s0, v1  }
0x58: {  	[sflag:s23] =	ssyncset.done $0x0;
	v5 =	vadd.s32 s0, v2  }
0x59: {  	[sflag:s23] =	ssyncadd.s32 $0xFFFFFF80  }
0x5a: {  	v7 =	vld.idx.msk [tilespmem:v4+s24+$0x0], $0xffff  }
0x5b: {  	v8 =	vld.idx.msk [tilespmem:v9+s24+$0x0], $0xffff  }
0x5c: {  	v10 =	vld.idx.msk [tilespmem:v6+s24+$0x0], $0xffff  }
0x5d: {  	v11 =	vld.idx.msk [tilespmem:v5+s24+$0x0], $0xffff;
	_ =	sdelay $0x4  }
0x5e: {  	v12 =	vmax.f32 v8, v10;
	v13 =	vmax.f32 v11, v7  }
0x5f: {  	v12 =	vmax.f32 v12, v13  }
0x60: {  	v8 =	vsub.f32 v8, v12  }
0x61: {  	v10 =	vsub.f32 v10, v12  }
0x62: {  	v7 =	vsub.f32 v7, v12;
	v8 =	vmul.f32 $1.442695020e+00, v8  }
0x63: {  	v11 =	vsub.f32 v11, v12;
	v10 =	vmul.f32 $1.442695020e+00, v10  }
0x64: {  	v7 =	vmul.f32 $1.442695020e+00, v7;
	(erf) = vpow2.f32 v8  }
0x65: {  	v8 =	vmul.f32 $1.442695020e+00, v11;
	(erf) = vpow2.f32 v10  }
0x66: {  	(erf) = vpow2.f32 v7  }
0x67: {  	(erf) = vpow2.f32 v8;
	_ =	sdelay $0x5  }
0x68: {  	v7 =	vpop (erf)  }
0x69: {  	v8 =	vpop (erf)  }
0x6a: {  	v10 =	vadd.f32 v8, v7;
	v11 =	vpop (erf)  }
0x6b: {  	v62 =	vpop (erf)  }
0x6c: {  	v10 =	vadd.f32 v10, v62;
	_ =	sdelay $0x1  }
0x6d: {  	v10 =	vadd.f32 v10, v11;
	_ =	sdelay $0x1  }
0x6e: {  	(erf) = vrcp.f32 v10;
	_ =	sdelay $0x8  }
0x6f: {  	v10 =	vpop (erf)  }
0x70: {  	s1 =	sadd.s32 $0x0, s21;
	v7 =	vmul.f32 v10, v7;
	v63 =	vmul.f32 v10, v8  }
0x71: {  	s30 =	simm.s32 $0x10;
	p0 =	slt.u32 s1, $0x186A0;
	v12 =	vmul.f32 v10, v62;
	v14 =	vmul.f32 v10, v11  }
0x72: {  	v8 =	vadd.s32 s30, v3;
	v11 =	vpsel !p0, $0x0, v7;
	v10 =	vpsel !p0, $0x0, v63  }
0x73: {  	s31 =	simm.s32 $0x20;
	v7 =	vor.u32 s30, v0;
	[tilespmem:v9+s22+$0x0] =	vst.idx.msk $0xffff, v11;
	v11 =	vpsel !p0, $0x0, v12;
	v9 =	vpsel !p0, $0x0, v14  }
.LBB2_4:
0x74: {  	p0 =	sne.s32 s31, $0xC70;
	v12 =	vadd.s32 s30, v2;
	[tilespmem:v6+s22+$0x0] =	vst.idx.msk $0xffff, v10;
	v6 =	vadd.s32 s30, v1;
	s0 =	smov.u32 s31;
	s31 =	sadd.s32 $0x10, s31  }
0x75: {  	[tilespmem:v5+s22+$0x0] =	vst.idx.msk $0xffff, v11;
	v5 =	vmov v12  }
0x76: {  	[tilespmem:v4+s22+$0x0] =	vst.idx.msk $0xffff, v9;
	v4 =	vmov v8  }
0x77: {  	v8 =	vld.idx.msk [tilespmem:v8+s24+$0x0], $0xffff  }
0x78: {  	v9 =	vld.idx.msk [tilespmem:v7+s24+$0x0], $0xffff  }
0x79: {  	v10 =	vld.idx.msk [tilespmem:v6+s24+$0x0], $0xffff  }
0x7a: {  	v11 =	vld.idx.msk [tilespmem:v12+s24+$0x0], $0xffff;
	_ =	sdelay $0x4  }
0x7b: {  	v12 =	vmax.f32 v9, v10  }
0x7c: {  	v13 =	vmax.f32 v11, v8  }
0x7d: {  	v12 =	vmax.f32 v12, v13  }
0x7e: {  	v9 =	vsub.f32 v9, v12;
	v10 =	vsub.f32 v10, v12  }
0x7f: {  	v11 =	vsub.f32 v11, v12;
	v8 =	vsub.f32 v8, v12  }
0x80: {  	v9 =	vmul.f32 $1.442695020e+00, v9;
	v10 =	vmul.f32 $1.442695020e+00, v10  }
0x81: {  	v11 =	vmul.f32 $1.442695020e+00, v11;
	v8 =	vmul.f32 $1.442695020e+00, v8  }
0x82: {  	(erf) = vpow2.f32 v9  }
0x83: {  	(erf) = vpow2.f32 v10  }
0x84: {  	(erf) = vpow2.f32 v8  }
0x85: {  	(erf) = vpow2.f32 v11;
	_ =	sdelay $0x5  }
0x86: {  	v8 =	vpop (erf)  }
0x87: {  	v9 =	vpop (erf)  }
0x88: {  	v10 =	vadd.f32 v9, v8;
	v11 =	vpop (erf)  }
0x89: {  	v12 =	vpop (erf)  }
0x8a: {  	v10 =	vadd.f32 v10, v12;
	_ =	sdelay $0x1  }
0x8b: {  	v10 =	vadd.f32 v10, v11;
	_ =	sdelay $0x1  }
0x8c: {  	(erf) = vrcp.f32 v10;
	_ =	sdelay $0x8  }
.Ltmp1:
0x8d: {  	v10 =	vpop (erf);
	(pc) =	sbr.rel @p0 .LBB2_4-.Ltmp1, $4  }
0x8e: {  	s1 =	sadd.s32 s30, s21;
	s30 =	smov.u32 s0;
	v13 =	vmul.f32 v10, v8;
	v9 =	vmul.f32 v10, v9  }
0x8f: {  	p1 =	slt.u32 s1, $0x186A0;
	v12 =	vmul.f32 v10, v12;
	v14 =	vmul.f32 v10, v11  }
0x90: {  	v8 =	vadd.s32 s30, v3;
	v11 =	vpsel !p1, $0x0, v13;
	v10 =	vpsel !p1, $0x0, v9  }
0x91: {  	v9 =	vpsel !p1, $0x0, v14;
	[tilespmem:v7+s22+$0x0] =	vst.idx.msk $0xffff, v11;
	v7 =	vor.u32 s30, v0;
	v11 =	vpsel !p1, $0x0, v12  }
0x92: {  	_ =	sdelay $0x3  }
0x93: {  	v12 =	vadd.s32 s30, v1;
	[tilespmem:v6+s22+$0x0] =	vst.idx.msk $0xffff, v10  }
0x94: {  	v59 =	vadd.s32 s30, v2;
	[tilespmem:v5+s22+$0x0] =	vst.idx.msk $0xffff, v11  }
0x95: {  	[tilespmem:v4+s22+$0x0] =	vst.idx.msk $0xffff, v9  }
0x96: {  	v4 =	vld.idx.msk [tilespmem:v8+s24+$0x0], $0xffff  }
0x97: {  	v5 =	vld.idx.msk [tilespmem:v7+s24+$0x0], $0xffff  }
0x98: {  	v9 =	vld.idx.msk [tilespmem:v12+s24+$0x0], $0xffff  }
0x99: {  	v10 =	vld.idx.msk [tilespmem:v59+s24+$0x0], $0xffff;
	_ =	sdelay $0x4  }
0x9a: {  	v60 =	vmax.f32 v5, v9;
	v13 =	vmax.f32 v10, v4  }
0x9b: {  	v11 =	vmax.f32 v60, v13  }
0x9c: {  	v5 =	vsub.f32 v5, v11  }
0x9d: {  	v9 =	vsub.f32 v9, v11  }
0x9e: {  	v4 =	vsub.f32 v4, v11;
	v5 =	vmul.f32 $1.442695020e+00, v5  }
0x9f: {  	v10 =	vsub.f32 v10, v11;
	v9 =	vmul.f32 $1.442695020e+00, v9  }
0xa0: {  	v4 =	vmul.f32 $1.442695020e+00, v4;
	(erf) = vpow2.f32 v5  }
0xa1: {  	v5 =	vmul.f32 $1.442695020e+00, v10;
	(erf) = vpow2.f32 v9  }
0xa2: {  	(erf) = vpow2.f32 v4  }
0xa3: {  	(erf) = vpow2.f32 v5;
	_ =	sdelay $0x5  }
0xa4: {  	v4 =	vpop (erf)  }
0xa5: {  	v5 =	vpop (erf)  }
0xa6: {  	v61 =	vadd.f32 v5, v4;
	v62 =	vpop (erf)  }
0xa7: {  	v63 =	vpop (erf)  }
0xa8: {  	v9 =	vadd.f32 v61, v63;
	_ =	sdelay $0x1  }
0xa9: {  	v9 =	vadd.f32 v9, v62;
	_ =	sdelay $0x1  }
0xaa: {  	(erf) = vrcp.f32 v9;
	_ =	sdelay $0x8  }
0xab: {  	v9 =	vpop (erf)  }
0xac: {  	s0 =	sadd.s32 s30, s21;
	v4 =	vmul.f32 v9, v4  }
0xad: {  	p0 =	slt.u32 s0, $0x186A0;
	v5 =	vmul.f32 v9, v5  }
0xae: {  	v11 =	vmul.f32 v9, v63;
	v4 =	vpsel !p0, $0x0, v4  }
0xaf: {  	v9 =	vmul.f32 v9, v62;
	v5 =	vpsel !p0, $0x0, v5;
	[tilespmem:v7+s22+$0x0] =	vst.idx.msk $0xffff, v4  }
0xb0: {  	v4 =	vpsel !p0, $0x0, v11;
	[tilespmem:v12+s22+$0x0] =	vst.idx.msk $0xffff, v5  }
0xb1: {  	v5 =	vpsel !p0, $0x0, v9;
	[tilespmem:v59+s22+$0x0] =	vst.idx.msk $0xffff, v4  }
0xb2: {  	s31 =	simm.s32 $0x6600;
	s1 =	simm.s32 $0x3200;
	[tilespmem:v8+s22+$0x0] =	vst.idx.msk $0xffff, v5  }
0xb3: {  	[spmem:s2] =	stream.indirect.scatter.add.f32 [tilespmem:s31], [sflag:$0x1], $0x1, s1, s25, $0xb8;
	[tilespmem:$0x14428] =	vst v63  }
0xb4: {  	s0 =	simm.s32 $0x200;
	_ =	swait.ge [sflag:s23], $0x80  }
.LBB2_6:
0xb5: {  	s1 =	sshra.s32 s0, $0x2  }
0xb6: {  	[sflag:s23] =	ssyncset.done $0x0;
	p0 =	sne.s32 s0, $0xC600;
	s30 =	sadd.s32 $0x6600, s1  }
.Ltmp2:
0xb7: {  	s1 =	sadd.s32 $0x3200, s1;
	[sflag:s23] =	ssyncadd.s32 $0xFFFFFF80;
	(pc) =	sbr.rel @p0 .LBB2_6-.Ltmp2, $3  }
0xb8: {  	[spmem:s2] =	stream.indirect.scatter.add.f32 [tilespmem:s30], [sflag:$0x1], $0x1, s1, s25, $0xb8;
	[tilespmem:$0x14428] =	vst v63  }
0xb9: {  	s0 =	sadd.s32 $0x200, s0;
	_ =	sdelay $0x1  }
0xba: {  	_ =	swait.ge [sflag:s23], $0x80  }
0xbb: {  	[sflag:s23] =	ssyncset.done $0x0  }
0xbc: {  	[sflag:s23] =	ssyncadd.s32 $0xFFFFFF80  }
0xbd: {  	[bflag:$0x0] =	sbarrier.arrive $0xFFFF  }
0xbe: {  	[tilespmem:s22], [sflag:$0x1] =	stream.linear.gather [spmem:s6], $0x3200, $0x38;
	[tilespmem:$0x14428] =	vst v63  }
0xbf: {  	_ =	swait.ge [sflag:s23], $0x3200  }
0xc0: {  	[sflag:s23] =	ssyncset.done $0x0  }
0xc1: {  	[sflag:s23] =	ssyncadd.s32 $0xFFFFCE00  }
0xc2: {  	[hbm4b:s18+s4] =	stream.linear.scatter [tilespmem:s22], [sflag:$0x1], $0x3200, $0x38;
	[tilespmem:$0x14428] =	vst v63  }
0xc3: {  	_ =	swait.ge [sflag:s23], $0x3200  }
0xc4: {  	[sflag:s23] =	ssyncset.done $0x0  }
0xc5: {  	[sflag:s23] =	ssyncadd.s32 $0xFFFFCE00  }
0xc6: {  	[tilespmem:s22], [sflag:$0x1] =	stream.linear.gather [spmem:s7], $0x2FA8, $0x38;
	[tilespmem:$0x14428] =	vst v63  }
0xc7: {  	s29 =	sadd.s32 $0x1, s29;
	_ =	swait.ge [sflag:s23], $0x2FA8  }
0xc8: {  	p0 =	sne.s32 s29, s20;
	[sflag:s23] =	ssyncset.done $0x0  }
.Ltmp3:
0xc9: {  	[sflag:s23] =	ssyncadd.s32 $0xFFFFD058;
	(pc) =	sbr.rel @p0 .LBB2_1-.Ltmp3, $4  }
0xca: {  	[hbm4b:s19+s4] =	stream.linear.scatter [tilespmem:s22], [sflag:$0x1], $0x2FA8, $0x38;
	[tilespmem:$0x14428] =	vst v63  }
0xcb: {  	_ =	swait.ge [sflag:s23], $0x2FA8  }
0xcc: {  	[sflag:s23] =	ssyncset.done $0x0  }
0xcd: {  	[sflag:s23] =	ssyncadd.s32 $0xFFFFD058  }
0xce: {  	_ =	sfence.sel $0x180000  }
0xcf: {  	[bflag:$0x0] =	sbarrier.arrive $0xFFFF  }
0xd0: {  	_ =	strace $0x90000047  }
0xd1: {  	s0 =	stileid.u32;
	[bflag:$0x2] =	sbarrier.arrive $0xFFFF  }
0xd2: {  	p0 =	sne.s32 s0, $0x0;
	s0 =	rddreg [dreg:$0x3]  }
0xd3: {  	s0 =	sadd.s32 @!p0 $0x100000, s0  }
0xd4: {  	[sflag:s0] =	ssyncadd.tile.s32 @!p0 $0x1;
	_ =	shalt  }
.Lfunc_end2:
_tile_overlayer_lowered:
.L_overlay_start_2:
0xd5: {  	(tag) =	ssettag $0x2  }
0xd6: {  	s0 =	rddreg [dreg:$0x0];
	s2 =	stileid.u32  }
0xd7: {  	s1 =	rddreg [dreg:$0x1];
	p0 =	sne.s32 s2, $0x0  }
0xd8: {  	s3 =	rddreg [dreg:$0x2];
	[bflag:$0x3] =	sbarrier.arrive $0xFFFF;
	s2 =	simm.s32 @!p0 $0x1C01  }
0xd9: {  	[timem:s3], [sflag:s2] =	dma.local @!p0 [hbm:s0], s1  }
0xda: {  	s0 =	simm.s32 @!p0 $0x1  }
0xdb: {  	_ =	swait.ge @!p0 [sflag:s0], s1  }
0xdc: {  	s1 =	ssub.s32 @!p0 $0x0, s1;
	[sflag:s0] =	ssyncset.done @!p0 $0x0  }
0xdd: {  	[sflag:s0] =	ssyncadd.s32 @!p0 s1  }
0xde: {  	[bflag:$0x3] =	sbarrier.arrive $0xFFFF  }
0xdf: {  	_ =	shalt  }

</sc_bundles>
